<compile_context>
chip_gen: v7x
topology: tpu7x:2x2x1
jax: 0.10.2.dev20260603
libtpu: 0.0.44.dev20260713+nightly
codegen_flags: <defaults>
</compile_context>

<pallas_src>
import functools

import jax
import jax.numpy as jnp
from jax import lax
from jax.experimental import pallas as pl
from jax.experimental.pallas import tpu as pltpu
from jax.experimental.pallas import tpu_sc as plsc

N_NODES = 10000
N_EDGES = 320000
D = 128
NC = 2
NS = 16
L = 16
NW = NC * NS
CB = 128
NCHUNK = N_EDGES // CB
TRIPS = -(-NCHUNK // NW)
RPT = N_NODES // NS
ROW_BLK = 5000


def _mm_body(h_ref, n_ref, w_ref, o_ref):
    o_ref[...] = jnp.dot(h_ref[...] * n_ref[...], w_ref[...],
                         preferred_element_type=jnp.float32)


def _fin_body(p_ref, n_ref, b_ref, o_ref):
    s = p_ref[0] + p_ref[1]
    o_ref[...] = jnp.maximum(s * n_ref[...] + b_ref[...], 0.0)


_sc_mesh = plsc.VectorSubcoreMesh(core_axis_name="c", subcore_axis_name="s")


@functools.partial(
    pl.kernel,
    out_type=jax.ShapeDtypeStruct((NC, N_NODES, D), jnp.float32),
    mesh=_sc_mesh,
    scratch_types=[
        pltpu.VMEM((3, 2, CB), jnp.int32),
        pltpu.VMEM((CB, D), jnp.float32),
        pltpu.VMEM((CB, D), jnp.float32),
        pltpu.VMEM((CB, D), jnp.float32),
        pltpu.VMEM_SHARED((N_NODES, D), jnp.float32),
        pltpu.SemaphoreType.DMA,
        pltpu.SemaphoreType.DMA,
        pltpu.SemaphoreType.DMA,
        pltpu.SemaphoreType.DMA,
        pltpu.SemaphoreType.DMA,
        pltpu.SemaphoreType.DMA,
        pltpu.SemaphoreType.DMA,
        pltpu.SemaphoreType.DMA,
        pltpu.SemaphoreType.DMA,
    ],
)
def _sc_scatter(x_hbm, ei_hbm, out_hbm, ibuf, rows_a, rows_b, rows_c, agg_sh,
                gsem_a, gsem_b, gsem_c, gsem_d, gsem_e, gsem_f,
                isem_a, isem_b, isem_c):
    cid = lax.axis_index("c")
    sid = lax.axis_index("s")
    wid = cid * NS + sid
    rows = (rows_a, rows_b, rows_c)
    gsems = ((gsem_a, gsem_b), (gsem_c, gsem_d), (gsem_e, gsem_f))
    isems = (isem_a, isem_b, isem_c)

    zeros = jnp.zeros((L,), jnp.float32)

    @pl.loop(0, CB)
    def _zero_rows(i):
        for c in range(D // L):
            rows_a[i, pl.ds(c * L, L)] = zeros

    for k in range(RPT // CB):
        pltpu.sync_copy(rows_a, agg_sh.at[pl.ds(sid * RPT + k * CB, CB)])
    if RPT % CB:
        pltpu.sync_copy(
            rows_a.at[pl.ds(0, RPT % CB)],
            agg_sh.at[pl.ds(sid * RPT + (RPT // CB) * CB, RPT % CB)])
    plsc.subcore_barrier()

    def start_idx(c, p):
        pltpu.async_copy(ei_hbm.at[:, pl.ds(c * CB, CB)], ibuf.at[p],
                         isems[p])

    def wait_idx(c, p):
        pltpu.make_async_copy(ei_hbm.at[:, pl.ds(c * CB, CB)], ibuf.at[p],
                              isems[p]).wait()

    def start_gather(p):
        pltpu.async_copy(x_hbm.at[ibuf.at[p, 0]], rows[p], gsems[p][0])

    def wait_gather(p):
        pltpu.make_async_copy(x_hbm.at[ibuf.at[p, 0]], rows[p],
                              gsems[p][0]).wait()

    start_idx(wid, 0)
    wait_idx(wid, 0)
    start_gather(0)

    @pl.when(wid + NW < NCHUNK)
    def _prime_idx1():
        start_idx(wid + NW, 1)

    @pl.when(wid + 2 * NW < NCHUNK)
    def _prime_idx2():
        start_idx(wid + 2 * NW, 2)

    @pl.loop(0, TRIPS + (-TRIPS) % 3, step=3)
    def _edges(i):
        for p in range(3):
            c = wid + (i + p) * NW
            pn = (p + 1) % 3

            @pl.when(c < NCHUNK)
            def _chunk():
                @pl.when(c + NW < NCHUNK)
                def _next_gather():
                    wait_idx(c + NW, pn)
                    start_gather(pn)

                wait_gather(p)
                pltpu.sync_copy(rows[p], agg_sh.at[ibuf.at[p, 1]], add=True)

                @pl.when(c + 3 * NW < NCHUNK)
                def _next_idx():
                    start_idx(c + 3 * NW, p)

    plsc.subcore_barrier()

    @pl.when(sid < NS - 1)
    def _copy_out():
        pltpu.sync_copy(agg_sh.at[pl.ds(sid * 624, 624)],
                        out_hbm.at[cid, pl.ds(sid * 624, 624)])

    @pl.when(sid == NS - 1)
    def _copy_out_last():
        pltpu.sync_copy(agg_sh.at[pl.ds(9360, 640)],
                        out_hbm.at[cid, pl.ds(9360, 640)])


@jax.jit
def kernel(h, W, b, norm, edge_index):
    x = pl.pallas_call(
        _mm_body,
        grid=(N_NODES // ROW_BLK,),
        in_specs=[
            pl.BlockSpec((ROW_BLK, D), lambda i: (i, 0)),
            pl.BlockSpec((ROW_BLK, 1), lambda i: (i, 0)),
            pl.BlockSpec((D, D), lambda i: (0, 0)),
        ],
        out_specs=pl.BlockSpec((ROW_BLK, D), lambda i: (i, 0)),
        out_shape=jax.ShapeDtypeStruct((N_NODES, D), jnp.float32),
    )(h, norm, W)

    parts = _sc_scatter(x, edge_index)

    out = pl.pallas_call(
        _fin_body,
        grid=(N_NODES // ROW_BLK,),
        in_specs=[
            pl.BlockSpec((NC, ROW_BLK, D), lambda i: (0, i, 0)),
            pl.BlockSpec((ROW_BLK, 1), lambda i: (i, 0)),
            pl.BlockSpec((1, D), lambda i: (0, 0)),
        ],
        out_specs=pl.BlockSpec((ROW_BLK, D), lambda i: (i, 0)),
        out_shape=jax.ShapeDtypeStruct((N_NODES, D), jnp.float32),
    )(parts, norm, b.reshape(1, D))
    return out

# --- scband reference (transcript-rebuilt; emitter-appended) ---
"""Pipeline reference for scband-gcnlayer-51565377356512 (READ-ONLY COPY).

The authoritative reference and input builder live on the scoring server;
editing this copy changes nothing except your own understanding.
"""

import jax, jax.numpy as jnp
import numpy as np

N_NODES = 10000
N_EDGES = 320000
D_IN = 128
D_OUT = 128


def setup_inputs(seed: int = 0) -> dict:
    key = jax.random.key(seed)
    k1, k2, k3, k4 = jax.random.split(key, 4)
    h = jax.random.normal(k1, (N_NODES, D_IN), dtype=jnp.float32)
    edge_index = jax.random.randint(k2, (2, N_EDGES), 0, N_NODES, dtype=jnp.int32)
    # GCN symmetric norm based on in-degree: norm = deg^{-1/2}
    deg = jnp.bincount(edge_index[1], length=N_NODES)
    deg = jnp.clip(deg, 1, None).astype(jnp.float32)
    norm = (deg ** -0.5)[:, None]
    stdv = 1.0 / np.sqrt(D_OUT)
    W = jax.random.uniform(k3, (D_IN, D_OUT), minval=-stdv, maxval=stdv, dtype=jnp.float32)
    b = jax.random.uniform(k4, (D_OUT,), minval=-stdv, maxval=stdv, dtype=jnp.float32)
    return {"h": h, "W": W, "b": b, "norm": norm, "edge_index": edge_index}


def reference(h, W, b, norm, edge_index):
    # dropout=0.0 -> falsy -> skipped (matches torch module)
    x = jnp.matmul(h, W)
    x = x * norm
    src = edge_index[0]
    dst = edge_index[1]
    # update_all(copy_src, sum): gather from src nodes, scatter-add into dst nodes
    msgs = jnp.take(x, src, axis=0)
    agg = jax.ops.segment_sum(msgs, dst, num_segments=N_NODES)
    out = agg * norm
    out = out + b
    out = jax.nn.relu(out)
    return out

if __name__ == "__main__":
    import jax
    _d = setup_inputs()
    print(jax.jit(kernel)(*tuple(_d.values())))

</pallas_src>

<mosaic_0001>
#map = affine_map<(d0, d1) -> (0, 0)>
#map1 = affine_map<(d0, d1) -> (0, 0, 0)>
module attributes {stable_mosaic.version = 14 : i64} {
  func.func @_sc_scatter(%arg0: i32, %arg1: i32, %arg2: memref<10000x128xf32, #tpu.memory_space<hbm>>, %arg3: memref<2x320000xi32, #tpu.memory_space<hbm>>, %arg4: memref<2x10000x128xf32, #tpu.memory_space<hbm>>, %arg5: memref<3x2x128xi32, #tpu.memory_space<vmem>>, %arg6: memref<128x128xf32, #tpu.memory_space<vmem>>, %arg7: memref<128x128xf32, #tpu.memory_space<vmem>>, %arg8: memref<128x128xf32, #tpu.memory_space<vmem>>, %arg9: memref<10000x128xf32, #tpu.memory_space<vmem_shared>>, %arg10: memref<!tpu.dma_semaphore, #tpu.memory_space<semaphore_mem>>, %arg11: memref<!tpu.dma_semaphore, #tpu.memory_space<semaphore_mem>>, %arg12: memref<!tpu.dma_semaphore, #tpu.memory_space<semaphore_mem>>, %arg13: memref<!tpu.dma_semaphore, #tpu.memory_space<semaphore_mem>>, %arg14: memref<!tpu.dma_semaphore, #tpu.memory_space<semaphore_mem>>, %arg15: memref<!tpu.dma_semaphore, #tpu.memory_space<semaphore_mem>>, %arg16: memref<!tpu.dma_semaphore, #tpu.memory_space<semaphore_mem>>, %arg17: memref<!tpu.dma_semaphore, #tpu.memory_space<semaphore_mem>>, %arg18: memref<!tpu.dma_semaphore, #tpu.memory_space<semaphore_mem>>) attributes {dimension_semantics = [#tpu.dimension_semantics<core_parallel>, #tpu.dimension_semantics<subcore_parallel>], iteration_bounds = array<i64: 2, 16>, scalar_prefetch = 0 : i64, scratch_operands = 14 : i64, tpu.core_type = #tpu.core_type<sc_vector_subcore>, window_params = [{transform_indices = #map}, {transform_indices = #map}, {transform_indices = #map1}]} {
    %mul3A = arith.constant 16 : i32
    %mul3A_0 = arith.muli %arg0, %mul3A : i32
    %add3A = arith.addi %mul3A_0, %arg1 : i32
    %broadcast_in_dim3A = arith.constant 0.000000e+00 : f32
    %broadcast_in_dim3A_1 = vector.broadcast %broadcast_in_dim3A : f32 to vector<16xf32>
    %scan3A = arith.constant 0 : i32
    %scan3A_2 = arith.constant 128 : i32
    %scan3A_3 = arith.addi %scan3A, %scan3A_2 : i32
    %scan3A_4 = arith.constant 1 : i32
    scf.for %scan3A_88 = %scan3A to %scan3A_3 step %scan3A_4  : i32 {
      %mul3A_89 = arith.constant 1 : i32
      %mul3A_90 = arith.muli %scan3A_88, %mul3A_89 : i32
      %add3A_91 = arith.constant 0 : i32
      %add3A_92 = arith.addi %add3A_91, %mul3A_90 : i32
      %swap3A = arith.index_cast %add3A_92 : i32 to index
      %swap3A_93 = arith.constant 0 : index
      %swap3A_94 = tpu.vector_load %arg6[%swap3A, %swap3A_93] {strides = array<i32>} : memref<128x128xf32, #tpu.memory_space<vmem>>, vector<1x16xf32>,
      %swap3A_95 = vector.shape_cast %swap3A_94 : vector<1x16xf32> to vector<16xf32>
      %swap3A_96 = vector.shape_cast %broadcast_in_dim3A_1 : vector<16xf32> to vector<1x16xf32>
      tpu.vector_store %arg6[%swap3A, %swap3A_93], %swap3A_96 {strides = array<i32>} : memref<128x128xf32, #tpu.memory_space<vmem>>, vector<1x16xf32>,
      %swap3A_97 = arith.index_cast %add3A_92 : i32 to index
      %swap3A_98 = arith.constant 16 : index
      %swap3A_99 = tpu.vector_load %arg6[%swap3A_97, %swap3A_98] {strides = array<i32>} : memref<128x128xf32, #tpu.memory_space<vmem>>, vector<1x16xf32>,
      %swap3A_100 = vector.shape_cast %swap3A_99 : vector<1x16xf32> to vector<16xf32>
      %swap3A_101 = vector.shape_cast %broadcast_in_dim3A_1 : vector<16xf32> to vector<1x16xf32>
      tpu.vector_store %arg6[%swap3A_97, %swap3A_98], %swap3A_101 {strides = array<i32>} : memref<128x128xf32, #tpu.memory_space<vmem>>, vector<1x16xf32>,
      %swap3A_102 = arith.index_cast %add3A_92 : i32 to index
      %swap3A_103 = arith.constant 32 : index
      %swap3A_104 = tpu.vector_load %arg6[%swap3A_102, %swap3A_103] {strides = array<i32>} : memref<128x128xf32, #tpu.memory_space<vmem>>, vector<1x16xf32>,
      %swap3A_105 = vector.shape_cast %swap3A_104 : vector<1x16xf32> to vector<16xf32>
      %swap3A_106 = vector.shape_cast %broadcast_in_dim3A_1 : vector<16xf32> to vector<1x16xf32>
      tpu.vector_store %arg6[%swap3A_102, %swap3A_103], %swap3A_106 {strides = array<i32>} : memref<128x128xf32, #tpu.memory_space<vmem>>, vector<1x16xf32>,
      %swap3A_107 = arith.index_cast %add3A_92 : i32 to index
      %swap3A_108 = arith.constant 48 : index
      %swap3A_109 = tpu.vector_load %arg6[%swap3A_107, %swap3A_108] {strides = array<i32>} : memref<128x128xf32, #tpu.memory_space<vmem>>, vector<1x16xf32>,
      %swap3A_110 = vector.shape_cast %swap3A_109 : vector<1x16xf32> to vector<16xf32>
      %swap3A_111 = vector.shape_cast %broadcast_in_dim3A_1 : vector<16xf32> to vector<1x16xf32>
      tpu.vector_store %arg6[%swap3A_107, %swap3A_108], %swap3A_111 {strides = array<i32>} : memref<128x128xf32, #tpu.memory_space<vmem>>, vector<1x16xf32>,
      %swap3A_112 = arith.index_cast %add3A_92 : i32 to index
      %swap3A_113 = arith.constant 64 : index
      %swap3A_114 = tpu.vector_load %arg6[%swap3A_112, %swap3A_113] {strides = array<i32>} : memref<128x128xf32, #tpu.memory_space<vmem>>, vector<1x16xf32>,
      %swap3A_115 = vector.shape_cast %swap3A_114 : vector<1x16xf32> to vector<16xf32>
      %swap3A_116 = vector.shape_cast %broadcast_in_dim3A_1 : vector<16xf32> to vector<1x16xf32>
      tpu.vector_store %arg6[%swap3A_112, %swap3A_113], %swap3A_116 {strides = array<i32>} : memref<128x128xf32, #tpu.memory_space<vmem>>, vector<1x16xf32>,
      %swap3A_117 = arith.index_cast %add3A_92 : i32 to index
      %swap3A_118 = arith.constant 80 : index
      %swap3A_119 = tpu.vector_load %arg6[%swap3A_117, %swap3A_118] {strides = array<i32>} : memref<128x128xf32, #tpu.memory_space<vmem>>, vector<1x16xf32>,
      %swap3A_120 = vector.shape_cast %swap3A_119 : vector<1x16xf32> to vector<16xf32>
      %swap3A_121 = vector.shape_cast %broadcast_in_dim3A_1 : vector<16xf32> to vector<1x16xf32>
      tpu.vector_store %arg6[%swap3A_117, %swap3A_118], %swap3A_121 {strides = array<i32>} : memref<128x128xf32, #tpu.memory_space<vmem>>, vector<1x16xf32>,
      %swap3A_122 = arith.index_cast %add3A_92 : i32 to index
      %swap3A_123 = arith.constant 96 : index
      %swap3A_124 = tpu.vector_load %arg6[%swap3A_122, %swap3A_123] {strides = array<i32>} : memref<128x128xf32, #tpu.memory_space<vmem>>, vector<1x16xf32>,
      %swap3A_125 = vector.shape_cast %swap3A_124 : vector<1x16xf32> to vector<16xf32>
      %swap3A_126 = vector.shape_cast %broadcast_in_dim3A_1 : vector<16xf32> to vector<1x16xf32>
      tpu.vector_store %arg6[%swap3A_122, %swap3A_123], %swap3A_126 {strides = array<i32>} : memref<128x128xf32, #tpu.memory_space<vmem>>, vector<1x16xf32>,
      %swap3A_127 = arith.index_cast %add3A_92 : i32 to index
      %swap3A_128 = arith.constant 112 : index
      %swap3A_129 = tpu.vector_load %arg6[%swap3A_127, %swap3A_128] {strides = array<i32>} : memref<128x128xf32, #tpu.memory_space<vmem>>, vector<1x16xf32>,
      %swap3A_130 = vector.shape_cast %swap3A_129 : vector<1x16xf32> to vector<16xf32>
      %swap3A_131 = vector.shape_cast %broadcast_in_dim3A_1 : vector<16xf32> to vector<1x16xf32>
      tpu.vector_store %arg6[%swap3A_127, %swap3A_128], %swap3A_131 {strides = array<i32>} : memref<128x128xf32, #tpu.memory_space<vmem>>, vector<1x16xf32>,
    }
    %scan3A_5 = arith.constant 128 : i32
    %mul3A_6 = arith.constant 625 : i32
    %mul3A_7 = arith.muli %arg1, %mul3A_6 : i32
    %add3A_8 = arith.constant 0 : i32
    %add3A_9 = arith.addi %mul3A_7, %add3A_8 : i32
    "tpu.region"() ({
      %run_scoped3A = tpu.sem_alloc : memref<!tpu.dma_semaphore, #tpu.memory_space<semaphore_mem>>
      %dma_start3A_88 = arith.constant 0 : i32
      %dma_start3A_89 = tpu.memref_slice %arg9[%add3A_9, %dma_start3A_88] : memref<10000x128xf32, #tpu.memory_space<vmem_shared>> -> memref<128x128xf32, #tpu.memory_space<vmem_shared>>
      %dma_start3A_90 = arith.constant 0 : i32
      %dma_start3A_91 = tpu.memref_slice %arg9[%add3A_9, %dma_start3A_90] : memref<10000x128xf32, #tpu.memory_space<vmem_shared>> -> memref<128x128xf32, #tpu.memory_space<vmem_shared>>
      tpu.enqueue_dma source(%arg6 : memref<128x128xf32, #tpu.memory_space<vmem>>) target(%dma_start3A_91 : memref<128x128xf32, #tpu.memory_space<vmem_shared>>) target_semaphore(%run_scoped3A : memref<!tpu.dma_semaphore, #tpu.memory_space<semaphore_mem>>)
      %dma_wait3A_92 = arith.constant 0 : i32
      %dma_wait3A_93 = tpu.memref_slice %arg9[%add3A_9, %dma_wait3A_92] : memref<10000x128xf32, #tpu.memory_space<vmem_shared>> -> memref<128x128xf32, #tpu.memory_space<vmem_shared>>
      %dma_wait3A_94 = arith.constant 0 : i32
      %dma_wait3A_95 = tpu.memref_slice %arg9[%add3A_9, %dma_wait3A_94] : memref<10000x128xf32, #tpu.memory_space<vmem_shared>> -> memref<128x128xf32, #tpu.memory_space<vmem_shared>>
      tpu.wait_dma2 semaphore(%run_scoped3A : memref<!tpu.dma_semaphore, #tpu.memory_space<semaphore_mem>>) src(%arg6 : memref<128x128xf32, #tpu.memory_space<vmem>>) dst(%dma_wait3A_95 : memref<128x128xf32, #tpu.memory_space<vmem_shared>>)
      tpu.yield
    }) : () -> ()
    %mul3A_10 = arith.constant 625 : i32
    %mul3A_11 = arith.muli %arg1, %mul3A_10 : i32
    %add3A_12 = arith.constant 128 : i32
    %add3A_13 = arith.addi %mul3A_11, %add3A_12 : i32
    "tpu.region"() ({
      %run_scoped3A = tpu.sem_alloc : memref<!tpu.dma_semaphore, #tpu.memory_space<semaphore_mem>>
      %dma_start3A_88 = arith.constant 0 : i32
      %dma_start3A_89 = tpu.memref_slice %arg9[%add3A_13, %dma_start3A_88] : memref<10000x128xf32, #tpu.memory_space<vmem_shared>> -> memref<128x128xf32, #tpu.memory_space<vmem_shared>>
      %dma_start3A_90 = arith.constant 0 : i32
      %dma_start3A_91 = tpu.memref_slice %arg9[%add3A_13, %dma_start3A_90] : memref<10000x128xf32, #tpu.memory_space<vmem_shared>> -> memref<128x128xf32, #tpu.memory_space<vmem_shared>>
      tpu.enqueue_dma source(%arg6 : memref<128x128xf32, #tpu.memory_space<vmem>>) target(%dma_start3A_91 : memref<128x128xf32, #tpu.memory_space<vmem_shared>>) target_semaphore(%run_scoped3A : memref<!tpu.dma_semaphore, #tpu.memory_space<semaphore_mem>>)
      %dma_wait3A_92 = arith.constant 0 : i32
      %dma_wait3A_93 = tpu.memref_slice %arg9[%add3A_13, %dma_wait3A_92] : memref<10000x128xf32, #tpu.memory_space<vmem_shared>> -> memref<128x128xf32, #tpu.memory_space<vmem_shared>>
      %dma_wait3A_94 = arith.constant 0 : i32
      %dma_wait3A_95 = tpu.memref_slice %arg9[%add3A_13, %dma_wait3A_94] : memref<10000x128xf32, #tpu.memory_space<vmem_shared>> -> memref<128x128xf32, #tpu.memory_space<vmem_shared>>
      tpu.wait_dma2 semaphore(%run_scoped3A : memref<!tpu.dma_semaphore, #tpu.memory_space<semaphore_mem>>) src(%arg6 : memref<128x128xf32, #tpu.memory_space<vmem>>) dst(%dma_wait3A_95 : memref<128x128xf32, #tpu.memory_space<vmem_shared>>)
      tpu.yield
    }) : () -> ()
    %mul3A_14 = arith.constant 625 : i32
    %mul3A_15 = arith.muli %arg1, %mul3A_14 : i32
    %add3A_16 = arith.constant 256 : i32
    %add3A_17 = arith.addi %mul3A_15, %add3A_16 : i32
    "tpu.region"() ({
      %run_scoped3A = tpu.sem_alloc : memref<!tpu.dma_semaphore, #tpu.memory_space<semaphore_mem>>
      %dma_start3A_88 = arith.constant 0 : i32
      %dma_start3A_89 = tpu.memref_slice %arg9[%add3A_17, %dma_start3A_88] : memref<10000x128xf32, #tpu.memory_space<vmem_shared>> -> memref<128x128xf32, #tpu.memory_space<vmem_shared>>
      %dma_start3A_90 = arith.constant 0 : i32
      %dma_start3A_91 = tpu.memref_slice %arg9[%add3A_17, %dma_start3A_90] : memref<10000x128xf32, #tpu.memory_space<vmem_shared>> -> memref<128x128xf32, #tpu.memory_space<vmem_shared>>
      tpu.enqueue_dma source(%arg6 : memref<128x128xf32, #tpu.memory_space<vmem>>) target(%dma_start3A_91 : memref<128x128xf32, #tpu.memory_space<vmem_shared>>) target_semaphore(%run_scoped3A : memref<!tpu.dma_semaphore, #tpu.memory_space<semaphore_mem>>)
      %dma_wait3A_92 = arith.constant 0 : i32
      %dma_wait3A_93 = tpu.memref_slice %arg9[%add3A_17, %dma_wait3A_92] : memref<10000x128xf32, #tpu.memory_space<vmem_shared>> -> memref<128x128xf32, #tpu.memory_space<vmem_shared>>
      %dma_wait3A_94 = arith.constant 0 : i32
      %dma_wait3A_95 = tpu.memref_slice %arg9[%add3A_17, %dma_wait3A_94] : memref<10000x128xf32, #tpu.memory_space<vmem_shared>> -> memref<128x128xf32, #tpu.memory_space<vmem_shared>>
      tpu.wait_dma2 semaphore(%run_scoped3A : memref<!tpu.dma_semaphore, #tpu.memory_space<semaphore_mem>>) src(%arg6 : memref<128x128xf32, #tpu.memory_space<vmem>>) dst(%dma_wait3A_95 : memref<128x128xf32, #tpu.memory_space<vmem_shared>>)
      tpu.yield
    }) : () -> ()
    %mul3A_18 = arith.constant 625 : i32
    %mul3A_19 = arith.muli %arg1, %mul3A_18 : i32
    %add3A_20 = arith.constant 384 : i32
    %add3A_21 = arith.addi %mul3A_19, %add3A_20 : i32
    "tpu.region"() ({
      %run_scoped3A = tpu.sem_alloc : memref<!tpu.dma_semaphore, #tpu.memory_space<semaphore_mem>>
      %dma_start3A_88 = arith.constant 0 : i32
      %dma_start3A_89 = tpu.memref_slice %arg9[%add3A_21, %dma_start3A_88] : memref<10000x128xf32, #tpu.memory_space<vmem_shared>> -> memref<128x128xf32, #tpu.memory_space<vmem_shared>>
      %dma_start3A_90 = arith.constant 0 : i32
      %dma_start3A_91 = tpu.memref_slice %arg9[%add3A_21, %dma_start3A_90] : memref<10000x128xf32, #tpu.memory_space<vmem_shared>> -> memref<128x128xf32, #tpu.memory_space<vmem_shared>>
      tpu.enqueue_dma source(%arg6 : memref<128x128xf32, #tpu.memory_space<vmem>>) target(%dma_start3A_91 : memref<128x128xf32, #tpu.memory_space<vmem_shared>>) target_semaphore(%run_scoped3A : memref<!tpu.dma_semaphore, #tpu.memory_space<semaphore_mem>>)
      %dma_wait3A_92 = arith.constant 0 : i32
      %dma_wait3A_93 = tpu.memref_slice %arg9[%add3A_21, %dma_wait3A_92] : memref<10000x128xf32, #tpu.memory_space<vmem_shared>> -> memref<128x128xf32, #tpu.memory_space<vmem_shared>>
      %dma_wait3A_94 = arith.constant 0 : i32
      %dma_wait3A_95 = tpu.memref_slice %arg9[%add3A_21, %dma_wait3A_94] : memref<10000x128xf32, #tpu.memory_space<vmem_shared>> -> memref<128x128xf32, #tpu.memory_space<vmem_shared>>
      tpu.wait_dma2 semaphore(%run_scoped3A : memref<!tpu.dma_semaphore, #tpu.memory_space<semaphore_mem>>) src(%arg6 : memref<128x128xf32, #tpu.memory_space<vmem>>) dst(%dma_wait3A_95 : memref<128x128xf32, #tpu.memory_space<vmem_shared>>)
      tpu.yield
    }) : () -> ()
    %mul3A_22 = arith.constant 625 : i32
    %mul3A_23 = arith.muli %arg1, %mul3A_22 : i32
    %add3A_24 = arith.constant 512 : i32
    %add3A_25 = arith.addi %mul3A_23, %add3A_24 : i32
    "tpu.region"() ({
      %run_scoped3A = tpu.sem_alloc : memref<!tpu.dma_semaphore, #tpu.memory_space<semaphore_mem>>
      %dma_start3A_88 = arith.constant 0 : i32
      %dma_start3A_89 = arith.constant 0 : i32
      %dma_start3A_90 = tpu.memref_slice %arg6[%dma_start3A_88, %dma_start3A_89] : memref<128x128xf32, #tpu.memory_space<vmem>> -> memref<113x128xf32, #tpu.memory_space<vmem>>
      %dma_start3A_91 = arith.constant 0 : i32
      %dma_start3A_92 = tpu.memref_slice %arg9[%add3A_25, %dma_start3A_91] : memref<10000x128xf32, #tpu.memory_space<vmem_shared>> -> memref<113x128xf32, #tpu.memory_space<vmem_shared>>
      %dma_start3A_93 = arith.constant 0 : i32
      %dma_start3A_94 = tpu.memref_slice %arg9[%add3A_25, %dma_start3A_93] : memref<10000x128xf32, #tpu.memory_space<vmem_shared>> -> memref<113x128xf32, #tpu.memory_space<vmem_shared>>
      %dma_start3A_95 = arith.constant 0 : i32
      %dma_start3A_96 = arith.constant 0 : i32
      %dma_start3A_97 = tpu.memref_slice %arg6[%dma_start3A_95, %dma_start3A_96] : memref<128x128xf32, #tpu.memory_space<vmem>> -> memref<113x128xf32, #tpu.memory_space<vmem>>
      tpu.enqueue_dma source(%dma_start3A_97 : memref<113x128xf32, #tpu.memory_space<vmem>>) target(%dma_start3A_94 : memref<113x128xf32, #tpu.memory_space<vmem_shared>>) target_semaphore(%run_scoped3A : memref<!tpu.dma_semaphore, #tpu.memory_space<semaphore_mem>>)
      %dma_wait3A_98 = arith.constant 0 : i32
      %dma_wait3A_99 = arith.constant 0 : i32
      %dma_wait3A_100 = tpu.memref_slice %arg6[%dma_wait3A_98, %dma_wait3A_99] : memref<128x128xf32, #tpu.memory_space<vmem>> -> memref<113x128xf32, #tpu.memory_space<vmem>>
      %dma_wait3A_101 = arith.constant 0 : i32
      %dma_wait3A_102 = tpu.memref_slice %arg9[%add3A_25, %dma_wait3A_101] : memref<10000x128xf32, #tpu.memory_space<vmem_shared>> -> memref<113x128xf32, #tpu.memory_space<vmem_shared>>
      %dma_wait3A_103 = arith.constant 0 : i32
      %dma_wait3A_104 = tpu.memref_slice %arg9[%add3A_25, %dma_wait3A_103] : memref<10000x128xf32, #tpu.memory_space<vmem_shared>> -> memref<113x128xf32, #tpu.memory_space<vmem_shared>>
      %dma_wait3A_105 = arith.constant 0 : i32
      %dma_wait3A_106 = arith.constant 0 : i32
      %dma_wait3A_107 = tpu.memref_slice %arg6[%dma_wait3A_105, %dma_wait3A_106] : memref<128x128xf32, #tpu.memory_space<vmem>> -> memref<113x128xf32, #tpu.memory_space<vmem>>
      tpu.wait_dma2 semaphore(%run_scoped3A : memref<!tpu.dma_semaphore, #tpu.memory_space<semaphore_mem>>) src(%dma_wait3A_107 : memref<113x128xf32, #tpu.memory_space<vmem>>) dst(%dma_wait3A_104 : memref<113x128xf32, #tpu.memory_space<vmem_shared>>)
      tpu.yield
    }) : () -> ()
    %barrier3A = arith.constant 0 : index
    tpu.barrier barrier_id(%barrier3A)
    %mul3A_26 = arith.constant 128 : i32
    %mul3A_27 = arith.muli %add3A, %mul3A_26 : i32
    %dma_start3A = arith.constant 0 : i32
    %dma_start3A_28 = arith.constant 0 : i32
    %dma_start3A_29 = arith.constant 0 : i32
    %dma_start3A_30 = tpu.memref_slice %arg5[%dma_start3A, %dma_start3A_28, %dma_start3A_29] : memref<3x2x128xi32, #tpu.memory_space<vmem>> -> memref<1x2x128xi32, #tpu.memory_space<vmem>>
    %dma_start3A_31 = tpu.memref_squeeze %dma_start3A_30 : memref<1x2x128xi32, #tpu.memory_space<vmem>> -> memref<2x128xi32, #tpu.memory_space<vmem>>
    %dma_start3A_32 = arith.constant 0 : i32
    %dma_start3A_33 = tpu.memref_slice %arg3[%dma_start3A_32, %mul3A_27] : memref<2x320000xi32, #tpu.memory_space<hbm>> -> memref<2x128xi32, #tpu.memory_space<hbm>>
    %dma_start3A_34 = arith.constant 0 : i32
    %dma_start3A_35 = arith.constant 0 : i32
    %dma_start3A_36 = tpu.memref_slice %arg5[%dma_start3A, %dma_start3A_34, %dma_start3A_35] : memref<3x2x128xi32, #tpu.memory_space<vmem>> -> memref<1x2x128xi32, #tpu.memory_space<vmem>>
    %dma_start3A_37 = tpu.memref_squeeze %dma_start3A_36 : memref<1x2x128xi32, #tpu.memory_space<vmem>> -> memref<2x128xi32, #tpu.memory_space<vmem>>
    %dma_start3A_38 = arith.constant 0 : i32
    %dma_start3A_39 = tpu.memref_slice %arg3[%dma_start3A_38, %mul3A_27] : memref<2x320000xi32, #tpu.memory_space<hbm>> -> memref<2x128xi32, #tpu.memory_space<hbm>>
    tpu.enqueue_dma source(%dma_start3A_39 : memref<2x128xi32, #tpu.memory_space<hbm>>) target(%dma_start3A_37 : memref<2x128xi32, #tpu.memory_space<vmem>>) target_semaphore(%arg16 : memref<!tpu.dma_semaphore, #tpu.memory_space<semaphore_mem>>)
    %mul3A_40 = arith.constant 128 : i32
    %mul3A_41 = arith.muli %add3A, %mul3A_40 : i32
    %dma_wait3A = arith.constant 0 : i32
    %dma_wait3A_42 = arith.constant 0 : i32
    %dma_wait3A_43 = arith.constant 0 : i32
    %dma_wait3A_44 = tpu.memref_slice %arg5[%dma_wait3A, %dma_wait3A_42, %dma_wait3A_43] : memref<3x2x128xi32, #tpu.memory_space<vmem>> -> memref<1x2x128xi32, #tpu.memory_space<vmem>>
    %dma_wait3A_45 = tpu.memref_squeeze %dma_wait3A_44 : memref<1x2x128xi32, #tpu.memory_space<vmem>> -> memref<2x128xi32, #tpu.memory_space<vmem>>
    %dma_wait3A_46 = arith.constant 0 : i32
    %dma_wait3A_47 = tpu.memref_slice %arg3[%dma_wait3A_46, %mul3A_41] : memref<2x320000xi32, #tpu.memory_space<hbm>> -> memref<2x128xi32, #tpu.memory_space<hbm>>
    %dma_wait3A_48 = arith.constant 0 : i32
    %dma_wait3A_49 = arith.constant 0 : i32
    %dma_wait3A_50 = tpu.memref_slice %arg5[%dma_wait3A, %dma_wait3A_48, %dma_wait3A_49] : memref<3x2x128xi32, #tpu.memory_space<vmem>> -> memref<1x2x128xi32, #tpu.memory_space<vmem>>
    %dma_wait3A_51 = tpu.memref_squeeze %dma_wait3A_50 : memref<1x2x128xi32, #tpu.memory_space<vmem>> -> memref<2x128xi32, #tpu.memory_space<vmem>>
    %dma_wait3A_52 = arith.constant 0 : i32
    %dma_wait3A_53 = tpu.memref_slice %arg3[%dma_wait3A_52, %mul3A_41] : memref<2x320000xi32, #tpu.memory_space<hbm>> -> memref<2x128xi32, #tpu.memory_space<hbm>>
    tpu.wait_dma2 semaphore(%arg16 : memref<!tpu.dma_semaphore, #tpu.memory_space<semaphore_mem>>) src(%dma_wait3A_53 : memref<2x128xi32, #tpu.memory_space<hbm>>) dst(%dma_wait3A_51 : memref<2x128xi32, #tpu.memory_space<vmem>>)
    %dma_start3A_54 = arith.constant 0 : i32
    %dma_start3A_55 = arith.constant 0 : i32
    %dma_start3A_56 = arith.constant 0 : i32
    %dma_start3A_57 = tpu.memref_slice %arg5[%dma_start3A_54, %dma_start3A_55, %dma_start3A_56] : memref<3x2x128xi32, #tpu.memory_space<vmem>> -> memref<1x1x128xi32, #tpu.memory_space<vmem>>
    %dma_start3A_58 = tpu.memref_squeeze %dma_start3A_57 : memref<1x1x128xi32, #tpu.memory_space<vmem>> -> memref<128xi32, #tpu.memory_space<vmem>>
    %dma_start3A_59 = arith.constant 0 : i32
    %dma_start3A_60 = arith.constant 0 : i32
    %dma_start3A_61 = tpu.memref_slice %arg2[%dma_start3A_59, %dma_start3A_60] : memref<10000x128xf32, #tpu.memory_space<hbm>> -> memref<10000x128xf32, #tpu.memory_space<hbm>>
    tpu.enqueue_indirect_dma source(%dma_start3A_61 : memref<10000x128xf32, #tpu.memory_space<hbm>>) target(%arg6 : memref<128x128xf32, #tpu.memory_space<vmem>>) offsets(%dma_start3A_58 : memref<128xi32, #tpu.memory_space<vmem>>) semaphore(%arg10 : memref<!tpu.dma_semaphore, #tpu.memory_space<semaphore_mem>>)
    %add3A_62 = arith.constant 32 : i32
    %add3A_63 = arith.addi %add3A, %add3A_62 : i32
    %lt3A = arith.constant 2500 : i32
    %lt3A_64 = arith.cmpi slt, %add3A_63, %lt3A : i32
    %convert_element_type3A = arith.extui %lt3A_64 : i1 to i32
    %cond3A = arith.constant 0 : i32
    %cond3A_65 = arith.cmpi ne, %convert_element_type3A, %cond3A : i32
    scf.if %cond3A_65 {
      %add3A_88 = arith.constant 32 : i32
      %add3A_89 = arith.addi %add3A, %add3A_88 : i32
      %mul3A_90 = arith.constant 128 : i32
      %mul3A_91 = arith.muli %add3A_89, %mul3A_90 : i32
      %dma_start3A_92 = arith.constant 1 : i32
      %dma_start3A_93 = arith.constant 0 : i32
      %dma_start3A_94 = arith.constant 0 : i32
      %dma_start3A_95 = tpu.memref_slice %arg5[%dma_start3A_92, %dma_start3A_93, %dma_start3A_94] : memref<3x2x128xi32, #tpu.memory_space<vmem>> -> memref<1x2x128xi32, #tpu.memory_space<vmem>>
      %dma_start3A_96 = tpu.memref_squeeze %dma_start3A_95 : memref<1x2x128xi32, #tpu.memory_space<vmem>> -> memref<2x128xi32, #tpu.memory_space<vmem>>
      %dma_start3A_97 = arith.constant 0 : i32
      %dma_start3A_98 = tpu.memref_slice %arg3[%dma_start3A_97, %mul3A_91] : memref<2x320000xi32, #tpu.memory_space<hbm>> -> memref<2x128xi32, #tpu.memory_space<hbm>>
      %dma_start3A_99 = arith.constant 0 : i32
      %dma_start3A_100 = arith.constant 0 : i32
      %dma_start3A_101 = tpu.memref_slice %arg5[%dma_start3A_92, %dma_start3A_99, %dma_start3A_100] : memref<3x2x128xi32, #tpu.memory_space<vmem>> -> memref<1x2x128xi32, #tpu.memory_space<vmem>>
      %dma_start3A_102 = tpu.memref_squeeze %dma_start3A_101 : memref<1x2x128xi32, #tpu.memory_space<vmem>> -> memref<2x128xi32, #tpu.memory_space<vmem>>
      %dma_start3A_103 = arith.constant 0 : i32
      %dma_start3A_104 = tpu.memref_slice %arg3[%dma_start3A_103, %mul3A_91] : memref<2x320000xi32, #tpu.memory_space<hbm>> -> memref<2x128xi32, #tpu.memory_space<hbm>>
      tpu.enqueue_dma source(%dma_start3A_104 : memref<2x128xi32, #tpu.memory_space<hbm>>) target(%dma_start3A_102 : memref<2x128xi32, #tpu.memory_space<vmem>>) target_semaphore(%arg17 : memref<!tpu.dma_semaphore, #tpu.memory_space<semaphore_mem>>)
    } else {
    }
    %add3A_66 = arith.constant 64 : i32
    %add3A_67 = arith.addi %add3A, %add3A_66 : i32
    %lt3A_68 = arith.constant 2500 : i32
    %lt3A_69 = arith.cmpi slt, %add3A_67, %lt3A_68 : i32
    %convert_element_type3A_70 = arith.extui %lt3A_69 : i1 to i32
    %cond3A_71 = arith.constant 0 : i32
    %cond3A_72 = arith.cmpi ne, %convert_element_type3A_70, %cond3A_71 : i32
    scf.if %cond3A_72 {
      %add3A_88 = arith.constant 64 : i32
      %add3A_89 = arith.addi %add3A, %add3A_88 : i32
      %mul3A_90 = arith.constant 128 : i32
      %mul3A_91 = arith.muli %add3A_89, %mul3A_90 : i32
      %dma_start3A_92 = arith.constant 2 : i32
      %dma_start3A_93 = arith.constant 0 : i32
      %dma_start3A_94 = arith.constant 0 : i32
      %dma_start3A_95 = tpu.memref_slice %arg5[%dma_start3A_92, %dma_start3A_93, %dma_start3A_94] : memref<3x2x128xi32, #tpu.memory_space<vmem>> -> memref<1x2x128xi32, #tpu.memory_space<vmem>>
      %dma_start3A_96 = tpu.memref_squeeze %dma_start3A_95 : memref<1x2x128xi32, #tpu.memory_space<vmem>> -> memref<2x128xi32, #tpu.memory_space<vmem>>
      %dma_start3A_97 = arith.constant 0 : i32
      %dma_start3A_98 = tpu.memref_slice %arg3[%dma_start3A_97, %mul3A_91] : memref<2x320000xi32, #tpu.memory_space<hbm>> -> memref<2x128xi32, #tpu.memory_space<hbm>>
      %dma_start3A_99 = arith.constant 0 : i32
      %dma_start3A_100 = arith.constant 0 : i32
      %dma_start3A_101 = tpu.memref_slice %arg5[%dma_start3A_92, %dma_start3A_99, %dma_start3A_100] : memref<3x2x128xi32, #tpu.memory_space<vmem>> -> memref<1x2x128xi32, #tpu.memory_space<vmem>>
      %dma_start3A_102 = tpu.memref_squeeze %dma_start3A_101 : memref<1x2x128xi32, #tpu.memory_space<vmem>> -> memref<2x128xi32, #tpu.memory_space<vmem>>
      %dma_start3A_103 = arith.constant 0 : i32
      %dma_start3A_104 = tpu.memref_slice %arg3[%dma_start3A_103, %mul3A_91] : memref<2x320000xi32, #tpu.memory_space<hbm>> -> memref<2x128xi32, #tpu.memory_space<hbm>>
      tpu.enqueue_dma source(%dma_start3A_104 : memref<2x128xi32, #tpu.memory_space<hbm>>) target(%dma_start3A_102 : memref<2x128xi32, #tpu.memory_space<vmem>>) target_semaphore(%arg18 : memref<!tpu.dma_semaphore, #tpu.memory_space<semaphore_mem>>)
    } else {
    }
    %scan3A_73 = arith.constant 0 : i32
    %scan3A_74 = arith.constant 27 : i32
    %scan3A_75 = arith.addi %scan3A_73, %scan3A_74 : i32
    %scan3A_76 = arith.constant 1 : i32
    scf.for %scan3A_88 = %scan3A_73 to %scan3A_75 step %scan3A_76  : i32 {
      %mul3A_89 = arith.constant 3 : i32
      %mul3A_90 = arith.muli %scan3A_88, %mul3A_89 : i32
      %add3A_91 = arith.constant 0 : i32
      %add3A_92 = arith.addi %add3A_91, %mul3A_90 : i32
      %add3A_93 = arith.constant 0 : i32
      %add3A_94 = arith.addi %add3A_92, %add3A_93 : i32
      %mul3A_95 = arith.constant 32 : i32
      %mul3A_96 = arith.muli %add3A_94, %mul3A_95 : i32
      %add3A_97 = arith.addi %add3A, %mul3A_96 : i32
      %lt3A_98 = arith.constant 2500 : i32
      %lt3A_99 = arith.cmpi slt, %add3A_97, %lt3A_98 : i32
      %convert_element_type3A_100 = arith.extui %lt3A_99 : i1 to i32
      %cond3A_101 = arith.constant 0 : i32
      %cond3A_102 = arith.cmpi ne, %convert_element_type3A_100, %cond3A_101 : i32
      scf.if %cond3A_102 {
        %add3A_123 = arith.constant 32 : i32
        %add3A_124 = arith.addi %add3A_97, %add3A_123 : i32
        %lt3A_125 = arith.constant 2500 : i32
        %lt3A_126 = arith.cmpi slt, %add3A_124, %lt3A_125 : i32
        %convert_element_type3A_127 = arith.extui %lt3A_126 : i1 to i32
        %cond3A_128 = arith.constant 0 : i32
        %cond3A_129 = arith.cmpi ne, %convert_element_type3A_127, %cond3A_128 : i32
        scf.if %cond3A_129 {
          %add3A_146 = arith.constant 32 : i32
          %add3A_147 = arith.addi %add3A_97, %add3A_146 : i32
          %mul3A_148 = arith.constant 128 : i32
          %mul3A_149 = arith.muli %add3A_147, %mul3A_148 : i32
          %dma_wait3A_150 = arith.constant 1 : i32
          %dma_wait3A_151 = arith.constant 0 : i32
          %dma_wait3A_152 = arith.constant 0 : i32
          %dma_wait3A_153 = tpu.memref_slice %arg5[%dma_wait3A_150, %dma_wait3A_151, %dma_wait3A_152] : memref<3x2x128xi32, #tpu.memory_space<vmem>> -> memref<1x2x128xi32, #tpu.memory_space<vmem>>
          %dma_wait3A_154 = tpu.memref_squeeze %dma_wait3A_153 : memref<1x2x128xi32, #tpu.memory_space<vmem>> -> memref<2x128xi32, #tpu.memory_space<vmem>>
          %dma_wait3A_155 = arith.constant 0 : i32
          %dma_wait3A_156 = tpu.memref_slice %arg3[%dma_wait3A_155, %mul3A_149] : memref<2x320000xi32, #tpu.memory_space<hbm>> -> memref<2x128xi32, #tpu.memory_space<hbm>>
          %dma_wait3A_157 = arith.constant 0 : i32
          %dma_wait3A_158 = arith.constant 0 : i32
          %dma_wait3A_159 = tpu.memref_slice %arg5[%dma_wait3A_150, %dma_wait3A_157, %dma_wait3A_158] : memref<3x2x128xi32, #tpu.memory_space<vmem>> -> memref<1x2x128xi32, #tpu.memory_space<vmem>>
          %dma_wait3A_160 = tpu.memref_squeeze %dma_wait3A_159 : memref<1x2x128xi32, #tpu.memory_space<vmem>> -> memref<2x128xi32, #tpu.memory_space<vmem>>
          %dma_wait3A_161 = arith.constant 0 : i32
          %dma_wait3A_162 = tpu.memref_slice %arg3[%dma_wait3A_161, %mul3A_149] : memref<2x320000xi32, #tpu.memory_space<hbm>> -> memref<2x128xi32, #tpu.memory_space<hbm>>
          tpu.wait_dma2 semaphore(%arg17 : memref<!tpu.dma_semaphore, #tpu.memory_space<semaphore_mem>>) src(%dma_wait3A_162 : memref<2x128xi32, #tpu.memory_space<hbm>>) dst(%dma_wait3A_160 : memref<2x128xi32, #tpu.memory_space<vmem>>)
          %dma_start3A_163 = arith.constant 1 : i32
          %dma_start3A_164 = arith.constant 0 : i32
          %dma_start3A_165 = arith.constant 0 : i32
          %dma_start3A_166 = tpu.memref_slice %arg5[%dma_start3A_163, %dma_start3A_164, %dma_start3A_165] : memref<3x2x128xi32, #tpu.memory_space<vmem>> -> memref<1x1x128xi32, #tpu.memory_space<vmem>>
          %dma_start3A_167 = tpu.memref_squeeze %dma_start3A_166 : memref<1x1x128xi32, #tpu.memory_space<vmem>> -> memref<128xi32, #tpu.memory_space<vmem>>
          %dma_start3A_168 = arith.constant 0 : i32
          %dma_start3A_169 = arith.constant 0 : i32
          %dma_start3A_170 = tpu.memref_slice %arg2[%dma_start3A_168, %dma_start3A_169] : memref<10000x128xf32, #tpu.memory_space<hbm>> -> memref<10000x128xf32, #tpu.memory_space<hbm>>
          tpu.enqueue_indirect_dma source(%dma_start3A_170 : memref<10000x128xf32, #tpu.memory_space<hbm>>) target(%arg7 : memref<128x128xf32, #tpu.memory_space<vmem>>) offsets(%dma_start3A_167 : memref<128xi32, #tpu.memory_space<vmem>>) semaphore(%arg12 : memref<!tpu.dma_semaphore, #tpu.memory_space<semaphore_mem>>)
        } else {
        }
        %dma_wait3A_130 = arith.constant 0 : i32
        %dma_wait3A_131 = arith.constant 0 : i32
        %dma_wait3A_132 = arith.constant 0 : i32
        %dma_wait3A_133 = tpu.memref_slice %arg5[%dma_wait3A_130, %dma_wait3A_131, %dma_wait3A_132] : memref<3x2x128xi32, #tpu.memory_space<vmem>> -> memref<1x1x128xi32, #tpu.memory_space<vmem>>
        %dma_wait3A_134 = tpu.memref_squeeze %dma_wait3A_133 : memref<1x1x128xi32, #tpu.memory_space<vmem>> -> memref<128xi32, #tpu.memory_space<vmem>>
        %dma_wait3A_135 = arith.constant 0 : i32
        %dma_wait3A_136 = arith.constant 0 : i32
        %dma_wait3A_137 = tpu.memref_slice %arg2[%dma_wait3A_135, %dma_wait3A_136] : memref<10000x128xf32, #tpu.memory_space<hbm>> -> memref<10000x128xf32, #tpu.memory_space<hbm>>
        tpu.wait_indirect_dma semaphore(%arg10 : memref<!tpu.dma_semaphore, #tpu.memory_space<semaphore_mem>>) src(%dma_wait3A_137 : memref<10000x128xf32, #tpu.memory_space<hbm>>) dst(%arg6 : memref<128x128xf32, #tpu.memory_space<vmem>>)
        %run_scoped3A = arith.constant 0 : i32
        %run_scoped3A_138 = arith.constant 1 : i32
        "tpu.region"() ({
          %run_scoped3A_146 = tpu.sem_alloc : memref<!tpu.dma_semaphore, #tpu.memory_space<semaphore_mem>>
          %dma_start3A_147 = arith.constant 0 : i32
          %dma_start3A_148 = tpu.memref_slice %arg5[%run_scoped3A, %run_scoped3A_138, %dma_start3A_147] : memref<3x2x128xi32, #tpu.memory_space<vmem>> -> memref<1x1x128xi32, #tpu.memory_space<vmem>>
          %dma_start3A_149 = tpu.memref_squeeze %dma_start3A_148 : memref<1x1x128xi32, #tpu.memory_space<vmem>> -> memref<128xi32, #tpu.memory_space<vmem>>
          %dma_start3A_150 = arith.constant 0 : i32
          %dma_start3A_151 = arith.constant 0 : i32
          %dma_start3A_152 = tpu.memref_slice %arg9[%dma_start3A_150, %dma_start3A_151] : memref<10000x128xf32, #tpu.memory_space<vmem_shared>> -> memref<10000x128xf32, #tpu.memory_space<vmem_shared>>
          tpu.enqueue_indirect_dma source(%arg6 : memref<128x128xf32, #tpu.memory_space<vmem>>) target(%dma_start3A_152 : memref<10000x128xf32, #tpu.memory_space<vmem_shared>>) offsets(%dma_start3A_149 : memref<128xi32, #tpu.memory_space<vmem>>) semaphore(%run_scoped3A_146 : memref<!tpu.dma_semaphore, #tpu.memory_space<semaphore_mem>>) {add = true}
          %dma_wait3A_153 = arith.constant 0 : i32
          %dma_wait3A_154 = tpu.memref_slice %arg5[%run_scoped3A, %run_scoped3A_138, %dma_wait3A_153] : memref<3x2x128xi32, #tpu.memory_space<vmem>> -> memref<1x1x128xi32, #tpu.memory_space<vmem>>
          %dma_wait3A_155 = tpu.memref_squeeze %dma_wait3A_154 : memref<1x1x128xi32, #tpu.memory_space<vmem>> -> memref<128xi32, #tpu.memory_space<vmem>>
          %dma_wait3A_156 = arith.constant 0 : i32
          %dma_wait3A_157 = arith.constant 0 : i32
          %dma_wait3A_158 = tpu.memref_slice %arg9[%dma_wait3A_156, %dma_wait3A_157] : memref<10000x128xf32, #tpu.memory_space<vmem_shared>> -> memref<10000x128xf32, #tpu.memory_space<vmem_shared>>
          tpu.wait_indirect_dma semaphore(%run_scoped3A_146 : memref<!tpu.dma_semaphore, #tpu.memory_space<semaphore_mem>>) src(%arg6 : memref<128x128xf32, #tpu.memory_space<vmem>>) dst(%dma_wait3A_158 : memref<10000x128xf32, #tpu.memory_space<vmem_shared>>)
          tpu.yield
        }) : () -> ()
        %add3A_139 = arith.constant 96 : i32
        %add3A_140 = arith.addi %add3A_97, %add3A_139 : i32
        %lt3A_141 = arith.constant 2500 : i32
        %lt3A_142 = arith.cmpi slt, %add3A_140, %lt3A_141 : i32
        %convert_element_type3A_143 = arith.extui %lt3A_142 : i1 to i32
        %cond3A_144 = arith.constant 0 : i32
        %cond3A_145 = arith.cmpi ne, %convert_element_type3A_143, %cond3A_144 : i32
        scf.if %cond3A_145 {
          %add3A_146 = arith.constant 96 : i32
          %add3A_147 = arith.addi %add3A_97, %add3A_146 : i32
          %mul3A_148 = arith.constant 128 : i32
          %mul3A_149 = arith.muli %add3A_147, %mul3A_148 : i32
          %dma_start3A_150 = arith.constant 0 : i32
          %dma_start3A_151 = arith.constant 0 : i32
          %dma_start3A_152 = arith.constant 0 : i32
          %dma_start3A_153 = tpu.memref_slice %arg5[%dma_start3A_150, %dma_start3A_151, %dma_start3A_152] : memref<3x2x128xi32, #tpu.memory_space<vmem>> -> memref<1x2x128xi32, #tpu.memory_space<vmem>>
          %dma_start3A_154 = tpu.memref_squeeze %dma_start3A_153 : memref<1x2x128xi32, #tpu.memory_space<vmem>> -> memref<2x128xi32, #tpu.memory_space<vmem>>
          %dma_start3A_155 = arith.constant 0 : i32
          %dma_start3A_156 = tpu.memref_slice %arg3[%dma_start3A_155, %mul3A_149] : memref<2x320000xi32, #tpu.memory_space<hbm>> -> memref<2x128xi32, #tpu.memory_space<hbm>>
          %dma_start3A_157 = arith.constant 0 : i32
          %dma_start3A_158 = arith.constant 0 : i32
          %dma_start3A_159 = tpu.memref_slice %arg5[%dma_start3A_150, %dma_start3A_157, %dma_start3A_158] : memref<3x2x128xi32, #tpu.memory_space<vmem>> -> memref<1x2x128xi32, #tpu.memory_space<vmem>>
          %dma_start3A_160 = tpu.memref_squeeze %dma_start3A_159 : memref<1x2x128xi32, #tpu.memory_space<vmem>> -> memref<2x128xi32, #tpu.memory_space<vmem>>
          %dma_start3A_161 = arith.constant 0 : i32
          %dma_start3A_162 = tpu.memref_slice %arg3[%dma_start3A_161, %mul3A_149] : memref<2x320000xi32, #tpu.memory_space<hbm>> -> memref<2x128xi32, #tpu.memory_space<hbm>>
          tpu.enqueue_dma source(%dma_start3A_162 : memref<2x128xi32, #tpu.memory_space<hbm>>) target(%dma_start3A_160 : memref<2x128xi32, #tpu.memory_space<vmem>>) target_semaphore(%arg16 : memref<!tpu.dma_semaphore, #tpu.memory_space<semaphore_mem>>)
        } else {
        }
      } else {
      }
      %add3A_103 = arith.constant 1 : i32
      %add3A_104 = arith.addi %add3A_92, %add3A_103 : i32
      %mul3A_105 = arith.constant 32 : i32
      %mul3A_106 = arith.muli %add3A_104, %mul3A_105 : i32
      %add3A_107 = arith.addi %add3A, %mul3A_106 : i32
      %lt3A_108 = arith.constant 2500 : i32
      %lt3A_109 = arith.cmpi slt, %add3A_107, %lt3A_108 : i32
      %convert_element_type3A_110 = arith.extui %lt3A_109 : i1 to i32
      %cond3A_111 = arith.constant 0 : i32
      %cond3A_112 = arith.cmpi ne, %convert_element_type3A_110, %cond3A_111 : i32
      scf.if %cond3A_112 {
        %add3A_123 = arith.constant 32 : i32
        %add3A_124 = arith.addi %add3A_107, %add3A_123 : i32
        %lt3A_125 = arith.constant 2500 : i32
        %lt3A_126 = arith.cmpi slt, %add3A_124, %lt3A_125 : i32
        %convert_element_type3A_127 = arith.extui %lt3A_126 : i1 to i32
        %cond3A_128 = arith.constant 0 : i32
        %cond3A_129 = arith.cmpi ne, %convert_element_type3A_127, %cond3A_128 : i32
        scf.if %cond3A_129 {
          %add3A_146 = arith.constant 32 : i32
          %add3A_147 = arith.addi %add3A_107, %add3A_146 : i32
          %mul3A_148 = arith.constant 128 : i32
          %mul3A_149 = arith.muli %add3A_147, %mul3A_148 : i32
          %dma_wait3A_150 = arith.constant 2 : i32
          %dma_wait3A_151 = arith.constant 0 : i32
          %dma_wait3A_152 = arith.constant 0 : i32
          %dma_wait3A_153 = tpu.memref_slice %arg5[%dma_wait3A_150, %dma_wait3A_151, %dma_wait3A_152] : memref<3x2x128xi32, #tpu.memory_space<vmem>> -> memref<1x2x128xi32, #tpu.memory_space<vmem>>
          %dma_wait3A_154 = tpu.memref_squeeze %dma_wait3A_153 : memref<1x2x128xi32, #tpu.memory_space<vmem>> -> memref<2x128xi32, #tpu.memory_space<vmem>>
          %dma_wait3A_155 = arith.constant 0 : i32
          %dma_wait3A_156 = tpu.memref_slice %arg3[%dma_wait3A_155, %mul3A_149] : memref<2x320000xi32, #tpu.memory_space<hbm>> -> memref<2x128xi32, #tpu.memory_space<hbm>>
          %dma_wait3A_157 = arith.constant 0 : i32
          %dma_wait3A_158 = arith.constant 0 : i32
          %dma_wait3A_159 = tpu.memref_slice %arg5[%dma_wait3A_150, %dma_wait3A_157, %dma_wait3A_158] : memref<3x2x128xi32, #tpu.memory_space<vmem>> -> memref<1x2x128xi32, #tpu.memory_space<vmem>>
          %dma_wait3A_160 = tpu.memref_squeeze %dma_wait3A_159 : memref<1x2x128xi32, #tpu.memory_space<vmem>> -> memref<2x128xi32, #tpu.memory_space<vmem>>
          %dma_wait3A_161 = arith.constant 0 : i32
          %dma_wait3A_162 = tpu.memref_slice %arg3[%dma_wait3A_161, %mul3A_149] : memref<2x320000xi32, #tpu.memory_space<hbm>> -> memref<2x128xi32, #tpu.memory_space<hbm>>
          tpu.wait_dma2 semaphore(%arg18 : memref<!tpu.dma_semaphore, #tpu.memory_space<semaphore_mem>>) src(%dma_wait3A_162 : memref<2x128xi32, #tpu.memory_space<hbm>>) dst(%dma_wait3A_160 : memref<2x128xi32, #tpu.memory_space<vmem>>)
          %dma_start3A_163 = arith.constant 2 : i32
          %dma_start3A_164 = arith.constant 0 : i32
          %dma_start3A_165 = arith.constant 0 : i32
          %dma_start3A_166 = tpu.memref_slice %arg5[%dma_start3A_163, %dma_start3A_164, %dma_start3A_165] : memref<3x2x128xi32, #tpu.memory_space<vmem>> -> memref<1x1x128xi32, #tpu.memory_space<vmem>>
          %dma_start3A_167 = tpu.memref_squeeze %dma_start3A_166 : memref<1x1x128xi32, #tpu.memory_space<vmem>> -> memref<128xi32, #tpu.memory_space<vmem>>
          %dma_start3A_168 = arith.constant 0 : i32
          %dma_start3A_169 = arith.constant 0 : i32
          %dma_start3A_170 = tpu.memref_slice %arg2[%dma_start3A_168, %dma_start3A_169] : memref<10000x128xf32, #tpu.memory_space<hbm>> -> memref<10000x128xf32, #tpu.memory_space<hbm>>
          tpu.enqueue_indirect_dma source(%dma_start3A_170 : memref<10000x128xf32, #tpu.memory_space<hbm>>) target(%arg8 : memref<128x128xf32, #tpu.memory_space<vmem>>) offsets(%dma_start3A_167 : memref<128xi32, #tpu.memory_space<vmem>>) semaphore(%arg14 : memref<!tpu.dma_semaphore, #tpu.memory_space<semaphore_mem>>)
        } else {
        }
        %dma_wait3A_130 = arith.constant 1 : i32
        %dma_wait3A_131 = arith.constant 0 : i32
        %dma_wait3A_132 = arith.constant 0 : i32
        %dma_wait3A_133 = tpu.memref_slice %arg5[%dma_wait3A_130, %dma_wait3A_131, %dma_wait3A_132] : memref<3x2x128xi32, #tpu.memory_space<vmem>> -> memref<1x1x128xi32, #tpu.memory_space<vmem>>
        %dma_wait3A_134 = tpu.memref_squeeze %dma_wait3A_133 : memref<1x1x128xi32, #tpu.memory_space<vmem>> -> memref<128xi32, #tpu.memory_space<vmem>>
        %dma_wait3A_135 = arith.constant 0 : i32
        %dma_wait3A_136 = arith.constant 0 : i32
        %dma_wait3A_137 = tpu.memref_slice %arg2[%dma_wait3A_135, %dma_wait3A_136] : memref<10000x128xf32, #tpu.memory_space<hbm>> -> memref<10000x128xf32, #tpu.memory_space<hbm>>
        tpu.wait_indirect_dma semaphore(%arg12 : memref<!tpu.dma_semaphore, #tpu.memory_space<semaphore_mem>>) src(%dma_wait3A_137 : memref<10000x128xf32, #tpu.memory_space<hbm>>) dst(%arg7 : memref<128x128xf32, #tpu.memory_space<vmem>>)
        %run_scoped3A = arith.constant 1 : i32
        %run_scoped3A_138 = arith.constant 1 : i32
        "tpu.region"() ({
          %run_scoped3A_146 = tpu.sem_alloc : memref<!tpu.dma_semaphore, #tpu.memory_space<semaphore_mem>>
          %dma_start3A_147 = arith.constant 0 : i32
          %dma_start3A_148 = tpu.memref_slice %arg5[%run_scoped3A, %run_scoped3A_138, %dma_start3A_147] : memref<3x2x128xi32, #tpu.memory_space<vmem>> -> memref<1x1x128xi32, #tpu.memory_space<vmem>>
          %dma_start3A_149 = tpu.memref_squeeze %dma_start3A_148 : memref<1x1x128xi32, #tpu.memory_space<vmem>> -> memref<128xi32, #tpu.memory_space<vmem>>
          %dma_start3A_150 = arith.constant 0 : i32
          %dma_start3A_151 = arith.constant 0 : i32
          %dma_start3A_152 = tpu.memref_slice %arg9[%dma_start3A_150, %dma_start3A_151] : memref<10000x128xf32, #tpu.memory_space<vmem_shared>> -> memref<10000x128xf32, #tpu.memory_space<vmem_shared>>
          tpu.enqueue_indirect_dma source(%arg7 : memref<128x128xf32, #tpu.memory_space<vmem>>) target(%dma_start3A_152 : memref<10000x128xf32, #tpu.memory_space<vmem_shared>>) offsets(%dma_start3A_149 : memref<128xi32, #tpu.memory_space<vmem>>) semaphore(%run_scoped3A_146 : memref<!tpu.dma_semaphore, #tpu.memory_space<semaphore_mem>>) {add = true}
          %dma_wait3A_153 = arith.constant 0 : i32
          %dma_wait3A_154 = tpu.memref_slice %arg5[%run_scoped3A, %run_scoped3A_138, %dma_wait3A_153] : memref<3x2x128xi32, #tpu.memory_space<vmem>> -> memref<1x1x128xi32, #tpu.memory_space<vmem>>
          %dma_wait3A_155 = tpu.memref_squeeze %dma_wait3A_154 : memref<1x1x128xi32, #tpu.memory_space<vmem>> -> memref<128xi32, #tpu.memory_space<vmem>>
          %dma_wait3A_156 = arith.constant 0 : i32
          %dma_wait3A_157 = arith.constant 0 : i32
          %dma_wait3A_158 = tpu.memref_slice %arg9[%dma_wait3A_156, %dma_wait3A_157] : memref<10000x128xf32, #tpu.memory_space<vmem_shared>> -> memref<10000x128xf32, #tpu.memory_space<vmem_shared>>
          tpu.wait_indirect_dma semaphore(%run_scoped3A_146 : memref<!tpu.dma_semaphore, #tpu.memory_space<semaphore_mem>>) src(%arg7 : memref<128x128xf32, #tpu.memory_space<vmem>>) dst(%dma_wait3A_158 : memref<10000x128xf32, #tpu.memory_space<vmem_shared>>)
          tpu.yield
        }) : () -> ()
        %add3A_139 = arith.constant 96 : i32
        %add3A_140 = arith.addi %add3A_107, %add3A_139 : i32
        %lt3A_141 = arith.constant 2500 : i32
        %lt3A_142 = arith.cmpi slt, %add3A_140, %lt3A_141 : i32
        %convert_element_type3A_143 = arith.extui %lt3A_142 : i1 to i32
        %cond3A_144 = arith.constant 0 : i32
        %cond3A_145 = arith.cmpi ne, %convert_element_type3A_143, %cond3A_144 : i32
        scf.if %cond3A_145 {
          %add3A_146 = arith.constant 96 : i32
          %add3A_147 = arith.addi %add3A_107, %add3A_146 : i32
          %mul3A_148 = arith.constant 128 : i32
          %mul3A_149 = arith.muli %add3A_147, %mul3A_148 : i32
          %dma_start3A_150 = arith.constant 1 : i32
          %dma_start3A_151 = arith.constant 0 : i32
          %dma_start3A_152 = arith.constant 0 : i32
          %dma_start3A_153 = tpu.memref_slice %arg5[%dma_start3A_150, %dma_start3A_151, %dma_start3A_152] : memref<3x2x128xi32, #tpu.memory_space<vmem>> -> memref<1x2x128xi32, #tpu.memory_space<vmem>>
          %dma_start3A_154 = tpu.memref_squeeze %dma_start3A_153 : memref<1x2x128xi32, #tpu.memory_space<vmem>> -> memref<2x128xi32, #tpu.memory_space<vmem>>
          %dma_start3A_155 = arith.constant 0 : i32
          %dma_start3A_156 = tpu.memref_slice %arg3[%dma_start3A_155, %mul3A_149] : memref<2x320000xi32, #tpu.memory_space<hbm>> -> memref<2x128xi32, #tpu.memory_space<hbm>>
          %dma_start3A_157 = arith.constant 0 : i32
          %dma_start3A_158 = arith.constant 0 : i32
          %dma_start3A_159 = tpu.memref_slice %arg5[%dma_start3A_150, %dma_start3A_157, %dma_start3A_158] : memref<3x2x128xi32, #tpu.memory_space<vmem>> -> memref<1x2x128xi32, #tpu.memory_space<vmem>>
          %dma_start3A_160 = tpu.memref_squeeze %dma_start3A_159 : memref<1x2x128xi32, #tpu.memory_space<vmem>> -> memref<2x128xi32, #tpu.memory_space<vmem>>
          %dma_start3A_161 = arith.constant 0 : i32
          %dma_start3A_162 = tpu.memref_slice %arg3[%dma_start3A_161, %mul3A_149] : memref<2x320000xi32, #tpu.memory_space<hbm>> -> memref<2x128xi32, #tpu.memory_space<hbm>>
          tpu.enqueue_dma source(%dma_start3A_162 : memref<2x128xi32, #tpu.memory_space<hbm>>) target(%dma_start3A_160 : memref<2x128xi32, #tpu.memory_space<vmem>>) target_semaphore(%arg17 : memref<!tpu.dma_semaphore, #tpu.memory_space<semaphore_mem>>)
        } else {
        }
      } else {
      }
      %add3A_113 = arith.constant 2 : i32
      %add3A_114 = arith.addi %add3A_92, %add3A_113 : i32
      %mul3A_115 = arith.constant 32 : i32
      %mul3A_116 = arith.muli %add3A_114, %mul3A_115 : i32
      %add3A_117 = arith.addi %add3A, %mul3A_116 : i32
      %lt3A_118 = arith.constant 2500 : i32
      %lt3A_119 = arith.cmpi slt, %add3A_117, %lt3A_118 : i32
      %convert_element_type3A_120 = arith.extui %lt3A_119 : i1 to i32
      %cond3A_121 = arith.constant 0 : i32
      %cond3A_122 = arith.cmpi ne, %convert_element_type3A_120, %cond3A_121 : i32
      scf.if %cond3A_122 {
        %add3A_123 = arith.constant 32 : i32
        %add3A_124 = arith.addi %add3A_117, %add3A_123 : i32
        %lt3A_125 = arith.constant 2500 : i32
        %lt3A_126 = arith.cmpi slt, %add3A_124, %lt3A_125 : i32
        %convert_element_type3A_127 = arith.extui %lt3A_126 : i1 to i32
        %cond3A_128 = arith.constant 0 : i32
        %cond3A_129 = arith.cmpi ne, %convert_element_type3A_127, %cond3A_128 : i32
        scf.if %cond3A_129 {
          %add3A_146 = arith.constant 32 : i32
          %add3A_147 = arith.addi %add3A_117, %add3A_146 : i32
          %mul3A_148 = arith.constant 128 : i32
          %mul3A_149 = arith.muli %add3A_147, %mul3A_148 : i32
          %dma_wait3A_150 = arith.constant 0 : i32
          %dma_wait3A_151 = arith.constant 0 : i32
          %dma_wait3A_152 = arith.constant 0 : i32
          %dma_wait3A_153 = tpu.memref_slice %arg5[%dma_wait3A_150, %dma_wait3A_151, %dma_wait3A_152] : memref<3x2x128xi32, #tpu.memory_space<vmem>> -> memref<1x2x128xi32, #tpu.memory_space<vmem>>
          %dma_wait3A_154 = tpu.memref_squeeze %dma_wait3A_153 : memref<1x2x128xi32, #tpu.memory_space<vmem>> -> memref<2x128xi32, #tpu.memory_space<vmem>>
          %dma_wait3A_155 = arith.constant 0 : i32
          %dma_wait3A_156 = tpu.memref_slice %arg3[%dma_wait3A_155, %mul3A_149] : memref<2x320000xi32, #tpu.memory_space<hbm>> -> memref<2x128xi32, #tpu.memory_space<hbm>>
          %dma_wait3A_157 = arith.constant 0 : i32
          %dma_wait3A_158 = arith.constant 0 : i32
          %dma_wait3A_159 = tpu.memref_slice %arg5[%dma_wait3A_150, %dma_wait3A_157, %dma_wait3A_158] : memref<3x2x128xi32, #tpu.memory_space<vmem>> -> memref<1x2x128xi32, #tpu.memory_space<vmem>>
          %dma_wait3A_160 = tpu.memref_squeeze %dma_wait3A_159 : memref<1x2x128xi32, #tpu.memory_space<vmem>> -> memref<2x128xi32, #tpu.memory_space<vmem>>
          %dma_wait3A_161 = arith.constant 0 : i32
          %dma_wait3A_162 = tpu.memref_slice %arg3[%dma_wait3A_161, %mul3A_149] : memref<2x320000xi32, #tpu.memory_space<hbm>> -> memref<2x128xi32, #tpu.memory_space<hbm>>
          tpu.wait_dma2 semaphore(%arg16 : memref<!tpu.dma_semaphore, #tpu.memory_space<semaphore_mem>>) src(%dma_wait3A_162 : memref<2x128xi32, #tpu.memory_space<hbm>>) dst(%dma_wait3A_160 : memref<2x128xi32, #tpu.memory_space<vmem>>)
          %dma_start3A_163 = arith.constant 0 : i32
          %dma_start3A_164 = arith.constant 0 : i32
          %dma_start3A_165 = arith.constant 0 : i32
          %dma_start3A_166 = tpu.memref_slice %arg5[%dma_start3A_163, %dma_start3A_164, %dma_start3A_165] : memref<3x2x128xi32, #tpu.memory_space<vmem>> -> memref<1x1x128xi32, #tpu.memory_space<vmem>>
          %dma_start3A_167 = tpu.memref_squeeze %dma_start3A_166 : memref<1x1x128xi32, #tpu.memory_space<vmem>> -> memref<128xi32, #tpu.memory_space<vmem>>
          %dma_start3A_168 = arith.constant 0 : i32
          %dma_start3A_169 = arith.constant 0 : i32
          %dma_start3A_170 = tpu.memref_slice %arg2[%dma_start3A_168, %dma_start3A_169] : memref<10000x128xf32, #tpu.memory_space<hbm>> -> memref<10000x128xf32, #tpu.memory_space<hbm>>
          tpu.enqueue_indirect_dma source(%dma_start3A_170 : memref<10000x128xf32, #tpu.memory_space<hbm>>) target(%arg6 : memref<128x128xf32, #tpu.memory_space<vmem>>) offsets(%dma_start3A_167 : memref<128xi32, #tpu.memory_space<vmem>>) semaphore(%arg10 : memref<!tpu.dma_semaphore, #tpu.memory_space<semaphore_mem>>)
        } else {
        }
        %dma_wait3A_130 = arith.constant 2 : i32
        %dma_wait3A_131 = arith.constant 0 : i32
        %dma_wait3A_132 = arith.constant 0 : i32
        %dma_wait3A_133 = tpu.memref_slice %arg5[%dma_wait3A_130, %dma_wait3A_131, %dma_wait3A_132] : memref<3x2x128xi32, #tpu.memory_space<vmem>> -> memref<1x1x128xi32, #tpu.memory_space<vmem>>
        %dma_wait3A_134 = tpu.memref_squeeze %dma_wait3A_133 : memref<1x1x128xi32, #tpu.memory_space<vmem>> -> memref<128xi32, #tpu.memory_space<vmem>>
        %dma_wait3A_135 = arith.constant 0 : i32
        %dma_wait3A_136 = arith.constant 0 : i32
        %dma_wait3A_137 = tpu.memref_slice %arg2[%dma_wait3A_135, %dma_wait3A_136] : memref<10000x128xf32, #tpu.memory_space<hbm>> -> memref<10000x128xf32, #tpu.memory_space<hbm>>
        tpu.wait_indirect_dma semaphore(%arg14 : memref<!tpu.dma_semaphore, #tpu.memory_space<semaphore_mem>>) src(%dma_wait3A_137 : memref<10000x128xf32, #tpu.memory_space<hbm>>) dst(%arg8 : memref<128x128xf32, #tpu.memory_space<vmem>>)
        %run_scoped3A = arith.constant 2 : i32
        %run_scoped3A_138 = arith.constant 1 : i32
        "tpu.region"() ({
          %run_scoped3A_146 = tpu.sem_alloc : memref<!tpu.dma_semaphore, #tpu.memory_space<semaphore_mem>>
          %dma_start3A_147 = arith.constant 0 : i32
          %dma_start3A_148 = tpu.memref_slice %arg5[%run_scoped3A, %run_scoped3A_138, %dma_start3A_147] : memref<3x2x128xi32, #tpu.memory_space<vmem>> -> memref<1x1x128xi32, #tpu.memory_space<vmem>>
          %dma_start3A_149 = tpu.memref_squeeze %dma_start3A_148 : memref<1x1x128xi32, #tpu.memory_space<vmem>> -> memref<128xi32, #tpu.memory_space<vmem>>
          %dma_start3A_150 = arith.constant 0 : i32
          %dma_start3A_151 = arith.constant 0 : i32
          %dma_start3A_152 = tpu.memref_slice %arg9[%dma_start3A_150, %dma_start3A_151] : memref<10000x128xf32, #tpu.memory_space<vmem_shared>> -> memref<10000x128xf32, #tpu.memory_space<vmem_shared>>
          tpu.enqueue_indirect_dma source(%arg8 : memref<128x128xf32, #tpu.memory_space<vmem>>) target(%dma_start3A_152 : memref<10000x128xf32, #tpu.memory_space<vmem_shared>>) offsets(%dma_start3A_149 : memref<128xi32, #tpu.memory_space<vmem>>) semaphore(%run_scoped3A_146 : memref<!tpu.dma_semaphore, #tpu.memory_space<semaphore_mem>>) {add = true}
          %dma_wait3A_153 = arith.constant 0 : i32
          %dma_wait3A_154 = tpu.memref_slice %arg5[%run_scoped3A, %run_scoped3A_138, %dma_wait3A_153] : memref<3x2x128xi32, #tpu.memory_space<vmem>> -> memref<1x1x128xi32, #tpu.memory_space<vmem>>
          %dma_wait3A_155 = tpu.memref_squeeze %dma_wait3A_154 : memref<1x1x128xi32, #tpu.memory_space<vmem>> -> memref<128xi32, #tpu.memory_space<vmem>>
          %dma_wait3A_156 = arith.constant 0 : i32
          %dma_wait3A_157 = arith.constant 0 : i32
          %dma_wait3A_158 = tpu.memref_slice %arg9[%dma_wait3A_156, %dma_wait3A_157] : memref<10000x128xf32, #tpu.memory_space<vmem_shared>> -> memref<10000x128xf32, #tpu.memory_space<vmem_shared>>
          tpu.wait_indirect_dma semaphore(%run_scoped3A_146 : memref<!tpu.dma_semaphore, #tpu.memory_space<semaphore_mem>>) src(%arg8 : memref<128x128xf32, #tpu.memory_space<vmem>>) dst(%dma_wait3A_158 : memref<10000x128xf32, #tpu.memory_space<vmem_shared>>)
          tpu.yield
        }) : () -> ()
        %add3A_139 = arith.constant 96 : i32
        %add3A_140 = arith.addi %add3A_117, %add3A_139 : i32
        %lt3A_141 = arith.constant 2500 : i32
        %lt3A_142 = arith.cmpi slt, %add3A_140, %lt3A_141 : i32
        %convert_element_type3A_143 = arith.extui %lt3A_142 : i1 to i32
        %cond3A_144 = arith.constant 0 : i32
        %cond3A_145 = arith.cmpi ne, %convert_element_type3A_143, %cond3A_144 : i32
        scf.if %cond3A_145 {
          %add3A_146 = arith.constant 96 : i32
          %add3A_147 = arith.addi %add3A_117, %add3A_146 : i32
          %mul3A_148 = arith.constant 128 : i32
          %mul3A_149 = arith.muli %add3A_147, %mul3A_148 : i32
          %dma_start3A_150 = arith.constant 2 : i32
          %dma_start3A_151 = arith.constant 0 : i32
          %dma_start3A_152 = arith.constant 0 : i32
          %dma_start3A_153 = tpu.memref_slice %arg5[%dma_start3A_150, %dma_start3A_151, %dma_start3A_152] : memref<3x2x128xi32, #tpu.memory_space<vmem>> -> memref<1x2x128xi32, #tpu.memory_space<vmem>>
          %dma_start3A_154 = tpu.memref_squeeze %dma_start3A_153 : memref<1x2x128xi32, #tpu.memory_space<vmem>> -> memref<2x128xi32, #tpu.memory_space<vmem>>
          %dma_start3A_155 = arith.constant 0 : i32
          %dma_start3A_156 = tpu.memref_slice %arg3[%dma_start3A_155, %mul3A_149] : memref<2x320000xi32, #tpu.memory_space<hbm>> -> memref<2x128xi32, #tpu.memory_space<hbm>>
          %dma_start3A_157 = arith.constant 0 : i32
          %dma_start3A_158 = arith.constant 0 : i32
          %dma_start3A_159 = tpu.memref_slice %arg5[%dma_start3A_150, %dma_start3A_157, %dma_start3A_158] : memref<3x2x128xi32, #tpu.memory_space<vmem>> -> memref<1x2x128xi32, #tpu.memory_space<vmem>>
          %dma_start3A_160 = tpu.memref_squeeze %dma_start3A_159 : memref<1x2x128xi32, #tpu.memory_space<vmem>> -> memref<2x128xi32, #tpu.memory_space<vmem>>
          %dma_start3A_161 = arith.constant 0 : i32
          %dma_start3A_162 = tpu.memref_slice %arg3[%dma_start3A_161, %mul3A_149] : memref<2x320000xi32, #tpu.memory_space<hbm>> -> memref<2x128xi32, #tpu.memory_space<hbm>>
          tpu.enqueue_dma source(%dma_start3A_162 : memref<2x128xi32, #tpu.memory_space<hbm>>) target(%dma_start3A_160 : memref<2x128xi32, #tpu.memory_space<vmem>>) target_semaphore(%arg18 : memref<!tpu.dma_semaphore, #tpu.memory_space<semaphore_mem>>)
        } else {
        }
      } else {
      }
    }
    %scan3A_77 = arith.constant 27 : i32
    %barrier3A_78 = arith.constant 0 : index
    tpu.barrier barrier_id(%barrier3A_78)
    %lt3A_79 = arith.constant 15 : i32
    %lt3A_80 = arith.cmpi slt, %arg1, %lt3A_79 : i32
    %convert_element_type3A_81 = arith.extui %lt3A_80 : i1 to i32
    %cond3A_82 = arith.constant 0 : i32
    %cond3A_83 = arith.cmpi ne, %convert_element_type3A_81, %cond3A_82 : i32
    scf.if %cond3A_83 {
      %mul3A_88 = arith.constant 624 : i32
      %mul3A_89 = arith.muli %arg1, %mul3A_88 : i32
      %mul3A_90 = arith.constant 624 : i32
      %mul3A_91 = arith.muli %arg1, %mul3A_90 : i32
      "tpu.region"() ({
        %run_scoped3A = tpu.sem_alloc : memref<!tpu.dma_semaphore, #tpu.memory_space<semaphore_mem>>
        %dma_start3A_92 = arith.constant 0 : i32
        %dma_start3A_93 = tpu.memref_slice %arg4[%arg0, %mul3A_91, %dma_start3A_92] : memref<2x10000x128xf32, #tpu.memory_space<hbm>> -> memref<1x624x128xf32, #tpu.memory_space<hbm>>
        %dma_start3A_94 = tpu.memref_squeeze %dma_start3A_93 : memref<1x624x128xf32, #tpu.memory_space<hbm>> -> memref<624x128xf32, #tpu.memory_space<hbm>>
        %dma_start3A_95 = arith.constant 0 : i32
        %dma_start3A_96 = tpu.memref_slice %arg9[%mul3A_89, %dma_start3A_95] : memref<10000x128xf32, #tpu.memory_space<vmem_shared>> -> memref<624x128xf32, #tpu.memory_space<vmem_shared>>
        tpu.enqueue_dma source(%dma_start3A_96 : memref<624x128xf32, #tpu.memory_space<vmem_shared>>) target(%dma_start3A_94 : memref<624x128xf32, #tpu.memory_space<hbm>>) target_semaphore(%run_scoped3A : memref<!tpu.dma_semaphore, #tpu.memory_space<semaphore_mem>>)
        %dma_wait3A_97 = arith.constant 0 : i32
        %dma_wait3A_98 = tpu.memref_slice %arg4[%arg0, %mul3A_91, %dma_wait3A_97] : memref<2x10000x128xf32, #tpu.memory_space<hbm>> -> memref<1x624x128xf32, #tpu.memory_space<hbm>>
        %dma_wait3A_99 = tpu.memref_squeeze %dma_wait3A_98 : memref<1x624x128xf32, #tpu.memory_space<hbm>> -> memref<624x128xf32, #tpu.memory_space<hbm>>
        %dma_wait3A_100 = arith.constant 0 : i32
        %dma_wait3A_101 = tpu.memref_slice %arg9[%mul3A_89, %dma_wait3A_100] : memref<10000x128xf32, #tpu.memory_space<vmem_shared>> -> memref<624x128xf32, #tpu.memory_space<vmem_shared>>
        tpu.wait_dma2 semaphore(%run_scoped3A : memref<!tpu.dma_semaphore, #tpu.memory_space<semaphore_mem>>) src(%dma_wait3A_101 : memref<624x128xf32, #tpu.memory_space<vmem_shared>>) dst(%dma_wait3A_99 : memref<624x128xf32, #tpu.memory_space<hbm>>)
        tpu.yield
      }) : () -> ()
    } else {
    }
    %eq3A = arith.constant 15 : i32
    %eq3A_84 = arith.cmpi eq, %arg1, %eq3A : i32
    %convert_element_type3A_85 = arith.extui %eq3A_84 : i1 to i32
    %cond3A_86 = arith.constant 0 : i32
    %cond3A_87 = arith.cmpi ne, %convert_element_type3A_85, %cond3A_86 : i32
    scf.if %cond3A_87 {
      "tpu.region"() ({
        %run_scoped3A = tpu.sem_alloc : memref<!tpu.dma_semaphore, #tpu.memory_space<semaphore_mem>>
        %dma_start3A_88 = arith.constant 9360 : i32
        %dma_start3A_89 = arith.constant 0 : i32
        %dma_start3A_90 = tpu.memref_slice %arg4[%arg0, %dma_start3A_88, %dma_start3A_89] : memref<2x10000x128xf32, #tpu.memory_space<hbm>> -> memref<1x640x128xf32, #tpu.memory_space<hbm>>
        %dma_start3A_91 = tpu.memref_squeeze %dma_start3A_90 : memref<1x640x128xf32, #tpu.memory_space<hbm>> -> memref<640x128xf32, #tpu.memory_space<hbm>>
        %dma_start3A_92 = arith.constant 9360 : i32
        %dma_start3A_93 = arith.constant 0 : i32
        %dma_start3A_94 = tpu.memref_slice %arg9[%dma_start3A_92, %dma_start3A_93] : memref<10000x128xf32, #tpu.memory_space<vmem_shared>> -> memref<640x128xf32, #tpu.memory_space<vmem_shared>>
        tpu.enqueue_dma source(%dma_start3A_94 : memref<640x128xf32, #tpu.memory_space<vmem_shared>>) target(%dma_start3A_91 : memref<640x128xf32, #tpu.memory_space<hbm>>) target_semaphore(%run_scoped3A : memref<!tpu.dma_semaphore, #tpu.memory_space<semaphore_mem>>)
        %dma_wait3A_95 = arith.constant 9360 : i32
        %dma_wait3A_96 = arith.constant 0 : i32
        %dma_wait3A_97 = tpu.memref_slice %arg4[%arg0, %dma_wait3A_95, %dma_wait3A_96] : memref<2x10000x128xf32, #tpu.memory_space<hbm>> -> memref<1x640x128xf32, #tpu.memory_space<hbm>>
        %dma_wait3A_98 = tpu.memref_squeeze %dma_wait3A_97 : memref<1x640x128xf32, #tpu.memory_space<hbm>> -> memref<640x128xf32, #tpu.memory_space<hbm>>
        %dma_wait3A_99 = arith.constant 9360 : i32
        %dma_wait3A_100 = arith.constant 0 : i32
        %dma_wait3A_101 = tpu.memref_slice %arg9[%dma_wait3A_99, %dma_wait3A_100] : memref<10000x128xf32, #tpu.memory_space<vmem_shared>> -> memref<640x128xf32, #tpu.memory_space<vmem_shared>>
        tpu.wait_dma2 semaphore(%run_scoped3A : memref<!tpu.dma_semaphore, #tpu.memory_space<semaphore_mem>>) src(%dma_wait3A_101 : memref<640x128xf32, #tpu.memory_space<vmem_shared>>) dst(%dma_wait3A_98 : memref<640x128xf32, #tpu.memory_space<hbm>>)
        tpu.yield
      }) : () -> ()
    } else {
    }
    return
  }
}

module attributes {stable_mosaic.version = 14 : i64} {
  func.func @_mm_body(%arg0: i32, %arg1: memref<5000x128xf32, #tpu.memory_space<vmem>>, %arg2: memref<5000x1xf32, #tpu.memory_space<vmem>>, %arg3: memref<128x128xf32, #tpu.memory_space<vmem>>, %arg4: memref<5000x128xf32, #tpu.memory_space<vmem>>) attributes {dimension_semantics = [#tpu.dimension_semantics<arbitrary>], iteration_bounds = array<i64: 2>, scalar_prefetch = 0 : i64, scratch_operands = 0 : i64, tpu.core_type = #tpu.core_type<tc>, window_params = [{transform_indices = @transform_0, window_bounds = array<i64: 5000, 128>}, {transform_indices = @transform_1, window_bounds = array<i64: 5000, 1>}, {pipeline_mode = #tpu.pipeline_mode<synchronous>, transform_indices = @transform_2, window_bounds = array<i64: 128, 128>}, {transform_indices = @transform_3, window_bounds = array<i64: 5000, 128>}]} {
    %get3A = arith.constant 0 : index
    %get3A_0 = arith.constant 0 : index
    %get3A_1 = vector.load %arg1[%get3A, %get3A_0] : memref<5000x128xf32, #tpu.memory_space<vmem>>, vector<5000x128xf32>
    %get3A_2 = arith.constant 0 : index
    %get3A_3 = arith.constant 0 : index
    %get3A_4 = vector.load %arg2[%get3A_2, %get3A_3] : memref<5000x1xf32, #tpu.memory_space<vmem>>, vector<5000x1xf32>
    %mul3A = vector.broadcast %get3A_4 : vector<5000x1xf32> to vector<5000x128xf32>
    %mul3A_5 = arith.mulf %get3A_1, %mul3A : vector<5000x128xf32>
    %get3A_6 = arith.constant 0 : index
    %get3A_7 = arith.constant 0 : index
    %get3A_8 = vector.load %arg3[%get3A_6, %get3A_7] : memref<128x128xf32, #tpu.memory_space<vmem>>, vector<128x128xf32>
    %dot_general3A = arith.constant dense<0.000000e+00> : vector<5000x128xf32>
    %dot_general3A_9 = tpu.matmul %mul3A_5, %get3A_8, %dot_general3A {dimension_numbers = #tpu.dot_dimension_numbers<[1], [0], [0], [1], [0, 0, 1, 1], [], []>, transpose_lhs_hint = false} : vector<5000x128xf32>, vector<128x128xf32>, vector<5000x128xf32> -> vector<5000x128xf32>
    %swap3A = arith.constant 0 : index
    %swap3A_10 = arith.constant 0 : index
    %swap3A_11 = vector.load %arg4[%swap3A, %swap3A_10] : memref<5000x128xf32, #tpu.memory_space<vmem>>, vector<5000x128xf32>
    tpu.vector_store %arg4[%swap3A, %swap3A_10], %dot_general3A_9 {strides = array<i32>} : memref<5000x128xf32, #tpu.memory_space<vmem>>, vector<5000x128xf32>,
    return
  }
  func.func @transform_0(%arg0: i32) -> (i32, i32) {
    %c0_i32 = arith.constant 0 : i32
    %c0_i32_0 = arith.constant 0 : i32
    return %arg0, %c0_i32 : i32, i32
  }
  func.func @transform_1(%arg0: i32) -> (i32, i32) {
    %c0_i32 = arith.constant 0 : i32
    %c0_i32_0 = arith.constant 0 : i32
    return %arg0, %c0_i32 : i32, i32
  }
  func.func @transform_2(%arg0: i32) -> (i32, i32) {
    %c0_i32 = arith.constant 0 : i32
    %c0_i32_0 = arith.constant 0 : i32
    %c0_i32_1 = arith.constant 0 : i32
    return %c0_i32, %c0_i32_0 : i32, i32
  }
  func.func @transform_3(%arg0: i32) -> (i32, i32) {
    %c0_i32 = arith.constant 0 : i32
    %c0_i32_0 = arith.constant 0 : i32
    return %arg0, %c0_i32 : i32, i32
  }
}

module attributes {stable_mosaic.version = 14 : i64} {
  func.func @_fin_body(%arg0: i32, %arg1: memref<2x5000x128xf32, #tpu.memory_space<vmem>>, %arg2: memref<5000x1xf32, #tpu.memory_space<vmem>>, %arg3: memref<1x128xf32, #tpu.memory_space<vmem>>, %arg4: memref<5000x128xf32, #tpu.memory_space<vmem>>) attributes {dimension_semantics = [#tpu.dimension_semantics<arbitrary>], iteration_bounds = array<i64: 2>, scalar_prefetch = 0 : i64, scratch_operands = 0 : i64, tpu.core_type = #tpu.core_type<tc>, window_params = [{transform_indices = @transform_0, window_bounds = array<i64: 2, 5000, 128>}, {transform_indices = @transform_1, window_bounds = array<i64: 5000, 1>}, {pipeline_mode = #tpu.pipeline_mode<synchronous>, transform_indices = @transform_2, window_bounds = array<i64: 1, 128>}, {transform_indices = @transform_3, window_bounds = array<i64: 5000, 128>}]} {
    %get3A = arith.constant 0 : index
    %get3A_0 = arith.constant 0 : index
    %get3A_1 = arith.constant 0 : index
    %get3A_2 = vector.load %arg1[%get3A, %get3A_0, %get3A_1] : memref<2x5000x128xf32, #tpu.memory_space<vmem>>, vector<1x5000x128xf32>
    %get3A_3 = vector.shape_cast %get3A_2 : vector<1x5000x128xf32> to vector<5000x128xf32>
    %get3A_4 = arith.constant 1 : index
    %get3A_5 = arith.constant 0 : index
    %get3A_6 = arith.constant 0 : index
    %get3A_7 = vector.load %arg1[%get3A_4, %get3A_5, %get3A_6] : memref<2x5000x128xf32, #tpu.memory_space<vmem>>, vector<1x5000x128xf32>
    %get3A_8 = vector.shape_cast %get3A_7 : vector<1x5000x128xf32> to vector<5000x128xf32>
    %add3A = arith.addf %get3A_3, %get3A_8 : vector<5000x128xf32>
    %get3A_9 = arith.constant 0 : index
    %get3A_10 = arith.constant 0 : index
    %get3A_11 = vector.load %arg2[%get3A_9, %get3A_10] : memref<5000x1xf32, #tpu.memory_space<vmem>>, vector<5000x1xf32>
    %mul3A = vector.broadcast %get3A_11 : vector<5000x1xf32> to vector<5000x128xf32>
    %mul3A_12 = arith.mulf %add3A, %mul3A : vector<5000x128xf32>
    %get3A_13 = arith.constant 0 : index
    %get3A_14 = arith.constant 0 : index
    %get3A_15 = vector.load %arg3[%get3A_13, %get3A_14] : memref<1x128xf32, #tpu.memory_space<vmem>>, vector<1x128xf32>
    %add3A_16 = vector.broadcast %get3A_15 : vector<1x128xf32> to vector<5000x128xf32>
    %add3A_17 = arith.addf %mul3A_12, %add3A_16 : vector<5000x128xf32>
    %max3A = arith.constant 0.000000e+00 : f32
    %max3A_18 = vector.broadcast %max3A : f32 to vector<5000x128xf32>
    %max3A_19 = arith.maximumf %add3A_17, %max3A_18 : vector<5000x128xf32>
    %swap3A = arith.constant 0 : index
    %swap3A_20 = arith.constant 0 : index
    %swap3A_21 = vector.load %arg4[%swap3A, %swap3A_20] : memref<5000x128xf32, #tpu.memory_space<vmem>>, vector<5000x128xf32>
    tpu.vector_store %arg4[%swap3A, %swap3A_20], %max3A_19 {strides = array<i32>} : memref<5000x128xf32, #tpu.memory_space<vmem>>, vector<5000x128xf32>,
    return
  }
  func.func @transform_0(%arg0: i32) -> (i32, i32, i32) {
    %c0_i32 = arith.constant 0 : i32
    %c0_i32_0 = arith.constant 0 : i32
    %c0_i32_1 = arith.constant 0 : i32
    return %c0_i32, %arg0, %c0_i32_0 : i32, i32, i32
  }
  func.func @transform_1(%arg0: i32) -> (i32, i32) {
    %c0_i32 = arith.constant 0 : i32
    %c0_i32_0 = arith.constant 0 : i32
    return %arg0, %c0_i32 : i32, i32
  }
  func.func @transform_2(%arg0: i32) -> (i32, i32) {
    %c0_i32 = arith.constant 0 : i32
    %c0_i32_0 = arith.constant 0 : i32
    %c0_i32_1 = arith.constant 0 : i32
    return %c0_i32, %c0_i32_0 : i32, i32
  }
  func.func @transform_3(%arg0: i32) -> (i32, i32) {
    %c0_i32 = arith.constant 0 : i32
    %c0_i32_0 = arith.constant 0 : i32
    return %arg0, %c0_i32 : i32, i32
  }
}

</mosaic_0001>

<sc_bundles>
// kernel: kernel.5.cloned.1.call-start
scs
__scs_entry_jumppad:
0x0: {  	(pc) =	sbr.rel $0x88, $3  }
0x1: {  	(tag) =	ssettag $0x0;
	lr =	simm.s32 $0x1  }
0x2: {  	[smem:$0x3F9C] =	sst lr;
	_ =	strace $0xD0000000  }
0x3: {  	_ = 	snop  }
0x4: {  	_ = 	snop  }
0x5: {  	_ = 	snop  }
0x6: {  	_ = 	snop  }
0x7: {  	_ = 	snop  }
__scs_overlays_trampoline_lowered:
0x8: {  	[smem:$0x3FAB] =	sst s0  }
0x9: {  	[smem:$0x3FAC] =	sst s1  }
0xa: {  	[smem:$0x3FAD] =	sst s2  }
0xb: {  	[smem:$0x3FAE] =	sst s3  }
0xc: {  	[smem:$0x3FAF] =	sst s4  }
0xd: {  	[smem:$0x3FB0] =	sst s5  }
0xe: {  	[smem:$0x3FB1] =	sst s6  }
0xf: {  	[smem:$0x3FB2] =	sst s7  }
0x10: {  	[smem:$0x3FB3] =	sst s8  }
0x11: {  	[smem:$0x3FB4] =	sst s9;
	s0 =	simm.s32 @!p0 $0x0  }
0x12: {  	s1 =	sld [smem:$0x3F9A];
	s0 =	simm.s32 @p0 $0x1  }
0x13: {  	[smem:$0x3FB5] =	sst s0;
	s0 =	simm.s32 @!p1 $0x0  }
0x14: {  	s2 =	sld [smem:$0x3F99];
	s0 =	simm.s32 @p1 $0x1  }
0x15: {  	[smem:$0x3FB6] =	sst s0;
	s0 =	simm.s32 @!p2 $0x0  }
0x16: {  	s3 =	sld [smem:$0x3FDB];
	s0 =	simm.s32 @p2 $0x1  }
0x17: {  	s4 =	simm.s32 $0x1BF5;
	[smem:$0x3FB8] =	sst s0  }
0x18: {  	s0 =	sld [smem:$0x3F9B];
	_ =	swait.ge [sflag:s4], $0x0  }
0x19: {  	s7 =	sld [smem:$0x3F9C]  }
0x1a: {  	s8 =	sadd.s32 $0xFFFFE003, lr  }
0x1b: {  	s9 =	sadd.s32 $0xFFFFFEF7, lr;
	s5 =	simm.s32 $0xFFFFFFFF;
	p2 =	slt.u32 s8, $0xFFFFF086  }
0x1c: {  	p1 =	slt.u32 s9, $0xF7A;
	s5 =	simm.s32 @!p2 $0x0  }
0x1d: {  	s5 =	simm.s32 @p1 $0x1;
	p0 =	seq.s32 s7, s2  }
0x1e: {  	s7 =	smul.u32 @!p0 $0xF7A, s2;
	p2 =	seq.s32 @!p0 s5, $0x0  }
0x1f: {  	s9 =	smul.u32 $0xF7A, s1;
	s8 =	simm.s32 @!p0 $0x1BF5;
	p2 =	por !p2, p0  }
0x20: {  	[sflag:s8] =	ssyncset.s32 @!p0 $0xFFFFF086;
	s6 =	sadd.s32 @!p0 s3, s7;
	s7 =	simm.s32 @!p0 $0x108  }
0x21: {  	s3 =	sadd.s32 s3, s9;
	s6 =	sadd.s32 @!p0 $0x88, s6;
	s7 =	simm.s32 @p2 $0x1082  }
0x22: {  	[simem:s7], [sflag:s8] =	dma.local @!p0 [hbm:s6], $0xF7A  }
0x23: {  	s9 =	sor.u32 $0xD0000000, s2;
	s6 =	simm.s32 $0x108;
	_ =	swait.ge @!p0 [sflag:s8], $0x0  }
0x24: {  	s3 =	sadd.s32 $0x88, s3;
	s6 =	simm.s32 @!p1 $0x1082;
	[sflag:s4] =	ssyncset.s32 $0xFFFFF086  }
0x25: {  	[simem:s6], [sflag:s4] =	dma.local [hbm:s3], $0xF7A  }
0x26: {  	[smem:$0x3F9C] =	sst s1;
	(tag) =	ssettag s2;
	_ =	strace s9  }
0x27: {  	s1 =	sld [smem:$0x3FAC]  }
0x28: {  	s2 =	sld [smem:$0x3FAD]  }
0x29: {  	s4 =	sld [smem:$0x3FAF]  }
0x2a: {  	p0 =	seq.s32 s5, $0x0;
	s5 =	sld [smem:$0x3FB0]  }
0x2b: {  	s6 =	sld [smem:$0x3FB1]  }
0x2c: {  	s7 =	sld [smem:$0x3FB2]  }
0x2d: {  	s3 =	simm.s32 $0x108;
	s8 =	sld [smem:$0x3FB3]  }
0x2e: {  	s3 =	simm.s32 @!p0 $0x1082;
	s9 =	sld [smem:$0x3FB4]  }
0x2f: {  	lr =	sadd.s32 s0, s3;
	s0 =	sld [smem:$0x3FAB]  }
0x30: {  	s3 =	sld [smem:$0x3FAE]  }
0x31: {  	[smem:$0x3FB7] =	sst s10  }
0x32: {  	s10 =	sld [smem:$0x3FB5];
	_ =	sdelay $0x3  }
0x33: {  	p0 =	seq.s32 s10, $0x1;
	s10 =	sld [smem:$0x3FB7];
	_ =	sdelay $0x3  }
0x34: {  	[smem:$0x3FB7] =	sst s10  }
0x35: {  	s10 =	sld [smem:$0x3FB6];
	_ =	sdelay $0x3  }
0x36: {  	p1 =	seq.s32 s10, $0x1;
	s10 =	sld [smem:$0x3FB7];
	_ =	sdelay $0x3  }
0x37: {  	[smem:$0x3FB7] =	sst s10  }
0x38: {  	s10 =	sld [smem:$0x3FB8]  }
0x39: {  	_ = 	snop;
	(pc) =	sbr.ind lr, $3  }
0x3a: {  	_ = 	snop  }
0x3b: {  	_ = 	snop  }
0x3c: {  	p2 =	seq.s32 s10, $0x1;
	s10 =	sld [smem:$0x3FB7]  }
0x3d: {  	_ =	shalt  }
0x3e: {  	_ =	shalt  }
0x3f: {  	_ =	shalt  }
0x40: {  	_ =	shalt  }
0x41: {  	_ =	shalt  }
0x42: {  	_ =	shalt  }
0x43: {  	_ =	shalt  }
0x44: {  	_ =	shalt  }
0x45: {  	_ =	shalt  }
0x46: {  	_ =	shalt  }
0x47: {  	_ =	shalt  }
0x48: {  	_ =	shalt  }
0x49: {  	_ =	shalt  }
0x4a: {  	_ =	shalt  }
0x4b: {  	_ =	shalt  }
0x4c: {  	_ =	shalt  }
0x4d: {  	_ =	shalt  }
0x4e: {  	_ =	shalt  }
0x4f: {  	_ =	shalt  }
0x50: {  	_ =	shalt  }
0x51: {  	_ =	shalt  }
0x52: {  	_ =	shalt  }
0x53: {  	_ =	shalt  }
0x54: {  	_ =	shalt  }
0x55: {  	_ =	shalt  }
0x56: {  	_ =	shalt  }
0x57: {  	_ =	shalt  }
0x58: {  	_ =	shalt  }
0x59: {  	_ =	shalt  }
0x5a: {  	_ =	shalt  }
0x5b: {  	_ =	shalt  }
0x5c: {  	_ =	shalt  }
0x5d: {  	_ =	shalt  }
0x5e: {  	_ =	shalt  }
0x5f: {  	_ =	shalt  }
0x60: {  	_ =	shalt  }
0x61: {  	_ =	shalt  }
0x62: {  	_ =	shalt  }
0x63: {  	_ =	shalt  }
0x64: {  	_ =	shalt  }
0x65: {  	_ =	shalt  }
0x66: {  	_ =	shalt  }
0x67: {  	_ =	shalt  }
0x68: {  	_ =	shalt  }
0x69: {  	_ =	shalt  }
0x6a: {  	_ =	shalt  }
0x6b: {  	_ =	shalt  }
0x6c: {  	_ =	shalt  }
0x6d: {  	_ =	shalt  }
0x6e: {  	_ =	shalt  }
0x6f: {  	_ =	shalt  }
0x70: {  	_ =	shalt  }
0x71: {  	_ =	shalt  }
0x72: {  	_ =	shalt  }
0x73: {  	_ =	shalt  }
0x74: {  	_ =	shalt  }
0x75: {  	_ =	shalt  }
0x76: {  	_ =	shalt  }
0x77: {  	_ =	shalt  }
0x78: {  	_ =	shalt  }
0x79: {  	_ =	shalt  }
0x7a: {  	_ =	shalt  }
0x7b: {  	_ =	shalt  }
0x7c: {  	_ =	shalt  }
0x7d: {  	_ =	shalt  }
0x7e: {  	_ =	shalt  }
0x7f: {  	_ =	shalt  }
0x80: {  	_ =	shalt  }
0x81: {  	_ =	shalt  }
0x82: {  	_ =	shalt  }
0x83: {  	_ =	shalt  }
0x84: {  	_ =	shalt  }
0x85: {  	_ =	shalt  }
0x86: {  	_ =	shalt  }
0x87: {  	_ =	shalt  }
.Lfunc_end0:
.L_simem_size_0:
called_computation_lowered:
.L_overlay_start_0:
0x88: {  	s2 =	sld [smem:$0x3FD9]  }
0x89: {  	s3 =	sld [smem:$0x3FFE];
	_ =	sdelay $0x1  }
0x8a: {  	s1 =	srdreg.scid  }
0x8b: {  	s0 =	sand.u32 $0x1, s1  }
0x8c: {  	s17 =	sshll.u32 s0, $0xA;
	s2 =	sadd.s32 s3, s2  }
0x8d: {  	s2 =	sadd.s32 s2, s17  }
0x8e: {  	[smem:$0x3FC3] =	sst s2  }
0x8f: {  	_ = 	snop  }
0x90: {  	s2 =	sld [smem:$0x3FC5]  }
0x91: {  	s18 =	sld [smem:$0x3FD0];
	(tm) =	ssettm $0x1  }
0x92: {  	s4 =	sld [smem:$0x3FFB];
	_ =	sdelay $0x3  }
0x93: {  	_ =	strace s4  }
0x94: {  	s4 =	sld [smem:$0x3FFC];
	_ =	sdelay $0x3  }
0x95: {  	_ =	strace s4  }
0x96: {  	s4 =	sld [smem:$0x3FFD];
	_ =	sdelay $0x3  }
0x97: {  	_ =	strace s4  }
0x98: {  	_ =	strace $0x8FFFFFFF  }
0x99: {  	s19 =	sld [smem:$0x3FDB];
	_ =	sdelay $0x1  }
0x9a: {  	s5 =	simm.s32 $_scs_section_size  }
0x9b: {  	s6 =	simm.s32 $_size__tile_overlayer_lowered;
	s7 =	simm.s32 $_tile_overlayer_lowered  }
0x9c: {  	s22 =	simm.s32 $0x1BFF;
	s21 =	sshll.u32 s7, $0x1;
	s4 =	sadd.s32 s5, s19  }
0x9d: {  	s8 =	simm.s32 $0x0;
	s20 =	sshll.u32 s6, $0x1;
	s6 =	sadd.s32 s21, s4  }
0x9e: {  	[timem:s8], [sflag:s22] =	dma.local [hbm:s6], s20  }
0x9f: {  	_ =	swait.ge [sflag:s22], s20  }
0xa0: {  	s5 =	ssub.s32 $0x0, s20;
	[sflag:s22] =	ssyncset.done $0x0  }
0xa1: {  	[sflag:s22] =	ssyncadd.s32 s5;
	_ =	sdelay $0x1  }
0xa2: {  	s23 =	simm.s32 $0x1B8B  }
0xa3: {  	_ =	swait.ge [sflag:s23], $0x1  }
0xa4: {  	[sflag:s23] =	ssyncset.done $0x0  }
0xa5: {  	s25 =	simm.s32 $0x1B8E;
	s24 =	sld [smem:$0x3FFE];
	[sflag:s23] =	ssyncadd.s32 $0xFFFFFFFF  }
0xa6: {  	s26 =	simm.s32 $execute0_lowered;
	[smem:$0x3FD2] =	sst s25  }
0xa7: {  	s6 =	sshll.u32 s26, $0x1;
	_ =	strace $0x80000046;
	[dreg:$0x1] =	wrdreg $0xFFFFFFFF  }
0xa8: {  	s28 =	simm.s32 $_size_execute0_lowered;
	s4 =	sadd.s32 s4, s6;
	[dreg:$0x0] =	wrdreg $0x0  }
0xa9: {  	s6 =	sshll.u32 s28, $0x1;
	[dreg:$0x2] =	wrdreg s4  }
0xaa: {  	[dreg:$0x3] =	wrdreg s6  }
0xab: {  	[dreg:$0x4] =	wrdreg $0xC0  }
0xac: {  	_ =	task [dreg:s8], $0x5FFFF  }
0xad: {  	[dreg:$0x1] =	wrdreg $0xFFFFFFFF  }
0xae: {  	[dreg:$0x0] =	wrdreg $0x60  }
0xaf: {  	[dreg:$0x2] =	wrdreg s18  }
0xb0: {  	[dreg:$0x3] =	wrdreg s2  }
0xb1: {  	[dreg:$0x4] =	wrdreg s24  }
0xb2: {  	[dreg:$0x5] =	wrdreg $0xC3000  }
0xb3: {  	[dreg:$0x6] =	wrdreg $0x9  }
0xb4: {  	_ =	task.clear_ibuf [dreg:s8], $0x7FFFF;
	_ =	strace $0x90000046  }
0xb5: {  	s29 =	simm.s32 $0x9;
	_ =	strace $0x80000048  }
0xb6: {  	_ =	swait.ge [sflag:s29], $0x1  }
0xb7: {  	[sflag:s29] =	ssyncadd.s32 $0xFFFFFFFF  }
0xb8: {  	_ =	strace $0x90000048  }
0xb9: {  	_ =	sfence  }
0xba: {  	s30 =	sld [smem:$0x0];
	_ =	sdelay $0x2  }
0xbb: {  	s31 =	sshll.u32 s1, $0xD;
	s1 =	sshrl.u32 s1, $0x2  }
0xbc: {  	s3 =	sand.u32 $0x4000, s31;
	s1 =	sadd.s32 s1, s30  }
0xbd: {  	s0 =	sor.u32 s3, s0;
	s1 =	sshll.u32 s1, $0x11  }
0xbe: {  	s0 =	sor.u32 s1, s0  }
0xbf: {  	s0 =	sadd.s32 $0x8F2B, s0  }
0xc0: {  	[sflag:s0] =	ssyncadd.remote.s32 $0x1  }
0xc1: {  	_ =	sfence.sel $0xFFFF  }
0xc2: {  	[dreg:$0x0] =	wrdreg $0xFFFFFFFF;
	(pc) =	sbr.abs _section_cstart, $3  }
0xc3: {  	[dreg:$0x1] =	wrdreg $0xFFFFFFFF  }
0xc4: {  	_ =	task.clear_ibuf [dreg:s8], $0x2FFFF;
	_ =	strace $0x9FFFFFFF  }
0xc5: {  	(tm) =	ssettm $0x7FFFFFFF  }
tec
execute0_lowered:
.L_overlay_start_1:
0x0: {  	(tag) =	ssettag $0x1  }
0x1: {  	s1 =	rddreg [dreg:$0x0]  }
0x2: {  	s0 =	rddreg [dreg:$0x1]  }
0x3: {  	s5 =	rddreg [dreg:$0x2]  }
0x4: {  	s3 =	rddreg [dreg:$0x3]  }
0x5: {  	s4 =	simm.s32 $0x0;
	s6 =	srdreg.scid;
	s2 =	stileid.u32  }
0x6: {  	[smem:$0x7FF] =	sst s4;
	s26 =	smul.u32 $0x4E200, s2  }
0x7: {  	s15 =	sand.u32 $0x1, s6;
	s14 =	sadd.s32 $0xE00, s5;
	s12 =	smul.u32 $0x13800, s2  }
0x8: {  	s19 =	smul.u32 $0x4E000, s2;
	s24 =	sadd.s32 $0x124800, s3;
	s31 =	sshll.u32 s2, $0x5  }
0x9: {  	p0 =	seq.s32 s2, $0xF;
	_ =	strace $0x80000047;
	s7 =	ssub.s32 $0x2, s15  }
0xa: {  	s29 =	sshll.u32 s15, $0x4;
	s13 =	smul.u32 $0x138800, s15;
	s15 =	sshll.u32 s15, $0x9  }
0xb: {  	s24 =	sshrl.u32 @p0 s24, $0x3;
	s28 =	sshrl.u32 s7, $0x1;
	s6 =	sshrl.u32 s26, $0x2  }
0xc: {  	s17 =	sor.u32 s2, s29;
	s30 =	sshrl.u32 s19, $0x2;
	s19 =	simm.s32 $0x7  }
0xd: {  	s16 =	ssub.s32 s7, s28;
	s5 =	sadd.s32 s6, s3;
	s10 =	sshll.u32 s17, $0x5  }
0xe: {  	s18 =	sadd.s32 s12, s13;
	s20 =	sshrl.u32 s13, $0x3;
	s21 =	sadd.s32 s30, s3  }
0xf: {  	s17 =	sor.u32 $0x40, s17;
	s6 =	sadd.s32 $0x4000, s5;
	s7 =	sadd.s32 $0x8000, s5  }
0x10: {  	s8 =	sadd.s32 $0xC000, s5;
	s9 =	sadd.s32 $0x10000, s5;
	s10 =	sadd.s32 s0, s10  }
0x11: {  	s18 =	sshrl.u32 s18, $0x3;
	s0 =	sadd.s32 s15, s0;
	s15 =	smax.u32 s16, $0x1  }
0x12: {  	s25 =	sshrl.u32 @!p0 s21, $0x3;
	s11 =	sadd.s32 $0x400, s10;
	s12 =	sadd.s32 $0x800, s10  }
0x13: {  	s13 =	sadd.s32 s14, s18;
	s14 =	sadd.s32 s14, s20;
	s16 =	sadd.s32 s31, s0  }
0x14: {  	v0 =	vimm.f32 $0.0e+00;
	s18 =	simm.s32 $0x300;
	s20 =	simm.s32 $0x4;
	s14 =	sadd.s32 $0x24900, s14  }
.LBB2_1:
0x15: {  	s0 =	simm.s32 $0x0;
	s21 =	simm.s32 $0x200  }
.LBB2_2:
0x16: {  	p1 =	sne.s32 s21, $0xFE00;
	[tilespmem:s0+$0x370] =	vst v0  }
0x17: {  	[tilespmem:s0+$0x300] =	vst v0  }
0x18: {  	[tilespmem:s0+$0x310] =	vst v0  }
.Ltmp0:
0x19: {  	[tilespmem:s0+$0x320] =	vst v0;
	(pc) =	sbr.rel @p1 .LBB2_2-.Ltmp0, $4  }
0x1a: {  	[tilespmem:s0+$0x330] =	vst v0  }
0x1b: {  	[tilespmem:s0+$0x340] =	vst v0  }
0x1c: {  	[tilespmem:s0+$0x350] =	vst v0  }
0x1d: {  	[tilespmem:s0+$0x360] =	vst v0;
	s0 =	sshra.s32 s21, $0x2;
	s21 =	sadd.s32 $0x200, s21  }
0x1e: {  	[tilespmem:s0+$0x370] =	vst v0  }
0x1f: {  	[tilespmem:s0+$0x300] =	vst v0  }
0x20: {  	[tilespmem:s0+$0x310] =	vst v0  }
0x21: {  	[tilespmem:s0+$0x320] =	vst v0  }
0x22: {  	[tilespmem:s0+$0x330] =	vst v0  }
0x23: {  	[tilespmem:s0+$0x340] =	vst v0  }
0x24: {  	[tilespmem:s0+$0x350] =	vst v0  }
0x25: {  	[tilespmem:s0+$0x360] =	vst v0  }
0x26: {  	[spmem:s5] =	stream.linear.scatter [tilespmem:s18], [sflag:$0x7], $0x4000, $0x38;
	[tilespmem:$0x1FB80] =	vst v63  }
0x27: {  	_ =	swait.ge [sflag:s19], $0x4000  }
0x28: {  	[sflag:s19] =	ssyncset.done $0x0  }
0x29: {  	[sflag:s19] =	ssyncadd.s32 $0xFFFFC000  }
0x2a: {  	[spmem:s6] =	stream.linear.scatter [tilespmem:s18], [sflag:$0x7], $0x4000, $0x38;
	[tilespmem:$0x1FB80] =	vst v63  }
0x2b: {  	_ =	swait.ge [sflag:s19], $0x4000  }
0x2c: {  	[sflag:s19] =	ssyncset.done $0x0  }
0x2d: {  	[sflag:s19] =	ssyncadd.s32 $0xFFFFC000  }
0x2e: {  	[spmem:s7] =	stream.linear.scatter [tilespmem:s18], [sflag:$0x7], $0x4000, $0x38;
	[tilespmem:$0x1FB80] =	vst v63  }
0x2f: {  	_ =	swait.ge [sflag:s19], $0x4000  }
0x30: {  	[sflag:s19] =	ssyncset.done $0x0  }
0x31: {  	[sflag:s19] =	ssyncadd.s32 $0xFFFFC000  }
0x32: {  	[spmem:s8] =	stream.linear.scatter [tilespmem:s18], [sflag:$0x7], $0x4000, $0x38;
	[tilespmem:$0x1FB80] =	vst v63  }
0x33: {  	_ =	swait.ge [sflag:s19], $0x4000  }
0x34: {  	[sflag:s19] =	ssyncset.done $0x0  }
0x35: {  	[sflag:s19] =	ssyncadd.s32 $0xFFFFC000  }
0x36: {  	[spmem:s9] =	stream.linear.scatter [tilespmem:s18], [sflag:$0x7], $0x3880, $0x38;
	[tilespmem:$0x1FB80] =	vst v63  }
0x37: {  	_ =	swait.ge [sflag:s19], $0x3880  }
0x38: {  	[sflag:s19] =	ssyncset.done $0x0  }
0x39: {  	[sflag:s19] =	ssyncadd.s32 $0xFFFFC780  }
0x3a: {  	s23 =	simm.s32 $0x0;
	[bflag:$0x0] =	sbarrier.arrive $0xFFFF  }
0x3b: {  	[tilespmem:s23], [sflag:$0x4] =	stream.linear.gather [hbm4b:s10+s23], $0x100, $0x38;
	[tilespmem:$0x1FB80] =	vst v63  }
0x3c: {  	s0 =	sadd.s32 $0xFFFFFFC0, s17;
	_ =	swait.ge [sflag:s20], $0x100  }
0x3d: {  	p1 =	sgt.u32 s0, $0x9C3;
	[sflag:s20] =	ssyncset.done $0x0  }
0x3e: {  	s2 =	simm.s32 $0x80;
	p2 =	sgt.u32 @!p1 s0, $0x9A3;
	[sflag:s20] =	ssyncadd.s32 $0xFFFFFF00  }
0x3f: {  	[tilespmem:s18], [sflag:$0x1] =	stream.indirect.gather [hbm4b:s1+s2], $0x80, s23, s2, $0xb8;
	[tilespmem:$0x1FB80] =	vst v63  }
0x40: {  	s26 =	simm.s32 $0x100;
	p2 =	por p2, p1  }
0x41: {  	[tilespmem:s26], [sflag:$0x5] =	stream.linear.gather [hbm4b:s11+s23], $0x100, $0x38;
	[tilespmem:$0x1FB80] =	vst v63  }
0x42: {  	s30 =	simm.s32 $0x200;
	s21 =	simm.s32 @!p2 $0x5  }
0x43: {  	[tilespmem:s30], [sflag:$0x6] =	stream.linear.gather [hbm4b:s12+s23], $0x100, $0x38;
	[tilespmem:$0x1FB80] =	vst v63  }
0x44: {  	p3 =	sgt.u32 @!p1 s0, $0x963;
	_ =	swait.ge @!p2 [sflag:s21], $0x100  }
0x45: {  	s0 =	simm.s32 @!p2 $0x4300;
	s28 =	simm.s32 @!p2 $0x100;
	[sflag:s21] =	ssyncset.done @!p2 $0x0  }
0x46: {  	s26 =	simm.s32 @!p2 $0x80;
	[sflag:s21] =	ssyncadd.s32 @!p2 $0xFFFFFF00;
	s21 =	simm.s32 @!p1 $0x1  }
0x47: {  	[tilespmem:s0], [sflag:$0x2] =	stream.indirect.gather @!p2 [hbm4b:s1+s26], $0x80, s28, s26, $0xb8;
	[tilespmem:$0x1FB80] =	vst v63  }
0x48: {  	p3 =	por p3, p1;
	_ =	swait.ge @!p1 [sflag:s21], $0x4000  }
0x49: {  	s0 =	simm.s32 @!p1 $0x7;
	s26 =	sadd.s32 $0xFFFFFFE0, s17;
	[sflag:s21] =	ssyncset.done @!p1 $0x0  }
0x4a: {  	s28 =	simm.s32 @!p1 $0x300;
	[sflag:s21] =	ssyncadd.s32 @!p1 $0xFFFFC000;
	s21 =	simm.s32 @!p1 $0x80  }
0x4b: {  	[spmem:s3] =	stream.indirect.scatter.add.f32 @!p1 [tilespmem:s28], [sflag:$0x7], $0x80, s21, s21, $0xb8;
	[tilespmem:$0x1FB80] =	vst v63  }
0x4c: {  	p2 =	sgt.u32 s26, $0x9C3;
	s21 =	sadd.s32 @!p3 $0x0, s16;
	_ =	swait.ge @!p1 [sflag:s0], $0x4000  }
0x4d: {  	p4 =	sgt.u32 @!p2 s26, $0x9A3;
	s21 =	sadd.s32 @!p3 $0xC00, s21;
	[sflag:s0] =	ssyncset.done @!p1 $0x0  }
0x4e: {  	[sflag:s0] =	ssyncadd.s32 @!p1 $0xFFFFC000;
	s0 =	simm.s32 @!p3 $0x0;
	p1 =	por p4, p2  }
0x4f: {  	[tilespmem:s0], [sflag:$0x4] =	stream.linear.gather @!p3 [hbm4b:s21+s0], $0x100, $0x38;
	[tilespmem:$0x1FB80] =	vst v63  }
0x50: {  	s0 =	simm.s32 @!p1 $0x6  }
0x51: {  	p3 =	sgt.u32 @!p2 s26, $0x963;
	_ =	swait.ge @!p1 [sflag:s0], $0x100  }
0x52: {  	s21 =	simm.s32 @!p1 $0x8300;
	s26 =	simm.s32 @!p2 $0x2;
	[sflag:s0] =	ssyncset.done @!p1 $0x0  }
0x53: {  	s28 =	simm.s32 @!p1 $0x200;
	[sflag:s0] =	ssyncadd.s32 @!p1 $0xFFFFFF00;
	s0 =	simm.s32 @!p1 $0x80  }
0x54: {  	[tilespmem:s21], [sflag:$0x3] =	stream.indirect.gather @!p1 [hbm4b:s1+s0], $0x80, s28, s0, $0xb8;
	[tilespmem:$0x1FB80] =	vst v63  }
0x55: {  	s29 =	simm.s32 @!p2 $0x180;
	p3 =	por p3, p2;
	_ =	swait.ge @!p2 [sflag:s26], $0x4000  }
0x56: {  	s0 =	sadd.s32 @!p3 $0x0, s16;
	s21 =	simm.s32 @!p2 $0x4300;
	[sflag:s26] =	ssyncset.done @!p2 $0x0  }
0x57: {  	s28 =	simm.s32 @!p2 $0x7;
	[sflag:s26] =	ssyncadd.s32 @!p2 $0xFFFFC000;
	s26 =	simm.s32 @!p2 $0x80  }
0x58: {  	[spmem:s3] =	stream.indirect.scatter.add.f32 @!p2 [tilespmem:s21], [sflag:$0x7], $0x80, s29, s26, $0xb8;
	[tilespmem:$0x1FB80] =	vst v63  }
0x59: {  	p1 =	sgt.u32 s17, $0x9C3;
	s0 =	sadd.s32 @!p3 $0x1000, s0;
	_ =	swait.ge @!p2 [sflag:s28], $0x4000  }
0x5a: {  	p4 =	sgt.u32 @!p1 s17, $0x9A3;
	s21 =	simm.s32 @!p3 $0x100;
	[sflag:s28] =	ssyncset.done @!p2 $0x0  }
0x5b: {  	s26 =	simm.s32 @!p3 $0x0;
	[sflag:s28] =	ssyncadd.s32 @!p2 $0xFFFFC000;
	p2 =	por p4, p1  }
0x5c: {  	[tilespmem:s21], [sflag:$0x5] =	stream.linear.gather @!p3 [hbm4b:s0+s26], $0x100, $0x38;
	[tilespmem:$0x1FB80] =	vst v63  }
0x5d: {  	s0 =	simm.s32 @!p2 $0x4  }
0x5e: {  	_ =	swait.ge @!p2 [sflag:s0], $0x100  }
0x5f: {  	s28 =	simm.s32 @!p1 $0x3;
	s21 =	simm.s32 @!p2 $0x300;
	[sflag:s0] =	ssyncset.done @!p2 $0x0  }
0x60: {  	s26 =	simm.s32 @!p2 $0x0;
	[sflag:s0] =	ssyncadd.s32 @!p2 $0xFFFFFF00;
	s0 =	simm.s32 @!p2 $0x80  }
0x61: {  	[tilespmem:s21], [sflag:$0x1] =	stream.indirect.gather @!p2 [hbm4b:s1+s0], $0x80, s26, s0, $0xb8;
	[tilespmem:$0x1FB80] =	vst v63  }
0x62: {  	s31 =	simm.s32 @!p1 $0x7;
	p2 =	sgt.u32 @!p1 s17, $0x963;
	_ =	swait.ge @!p1 [sflag:s28], $0x4000  }
0x63: {  	s0 =	simm.s32 @!p1 $0x8300;
	s21 =	simm.s32 @!p1 $0x80;
	[sflag:s28] =	ssyncset.done @!p1 $0x0  }
0x64: {  	p3 =	por p2, p1;
	[sflag:s28] =	ssyncadd.s32 @!p1 $0xFFFFC000;
	s28 =	simm.s32 @!p1 $0x280  }
0x65: {  	[spmem:s3] =	stream.indirect.scatter.add.f32 @!p1 [tilespmem:s0], [sflag:$0x7], $0x80, s28, s21, $0xb8;
	[tilespmem:$0x1FB80] =	vst v63  }
0x66: {  	s29 =	simm.s32 $0x1800;
	s28 =	sadd.s32 $0x60, s17;
	s0 =	sadd.s32 @!p3 $0x0, s16  }
0x67: {  	s26 =	simm.s32 $0xC00;
	s21 =	sadd.s32 $0xFFFFFFC0, s28;
	s0 =	sadd.s32 @!p3 $0x1400, s0  }
.LBB2_4:
0x68: {  	p4 =	sgt.u32 s21, $0x9C3;
	s22 =	simm.s32 @!p3 $0x0  }
0x69: {  	s23 =	simm.s32 @!p3 $0x200;
	s30 =	smov.u32 s26;
	s26 =	smov.u32 s29  }
0x6a: {  	p2 =	sgt.u32 @!p4 s21, $0x9A3;
	p5 =	sgt.u32 @!p4 s21, $0x963;
	_ =	swait.ge @!p1 [sflag:s31], $0x4000  }
0x6b: {  	p2 =	por p2, p4;
	p5 =	por p5, p4;
	[sflag:s31] =	ssyncset.done @!p1 $0x0  }
0x6c: {  	s21 =	simm.s32 @!p2 $0x5;
	s2 =	sadd.s32 @!p5 s30, s16;
	[sflag:s31] =	ssyncadd.s32 @!p1 $0xFFFFC000  }
0x6d: {  	[tilespmem:s23], [sflag:$0x6] =	stream.linear.gather @!p3 [hbm4b:s0+s22], $0x100, $0x38;
	[tilespmem:$0x1FB80] =	vst v63  }
0x6e: {  	s0 =	simm.s32 @!p2 $0x4300;
	s2 =	sadd.s32 @!p5 $0xC00, s2;
	_ =	swait.ge @!p2 [sflag:s21], $0x100  }
0x6f: {  	s22 =	simm.s32 @!p2 $0x80;
	s23 =	simm.s32 @!p2 $0x100;
	[sflag:s21] =	ssyncset.done @!p2 $0x0  }
0x70: {  	s29 =	sadd.s32 $0xC00, s29;
	[sflag:s21] =	ssyncadd.s32 @!p2 $0xFFFFFF00;
	s21 =	simm.s32 @!p4 $0x1  }
0x71: {  	[tilespmem:s0], [sflag:$0x2] =	stream.indirect.gather @!p2 [hbm4b:s1+s22], $0x80, s23, s22, $0xb8;
	[tilespmem:$0x1FB80] =	vst v63  }
0x72: {  	p2 =	sne.s32 s29, $0x14400;
	_ =	swait.ge @!p4 [sflag:s21], $0x4000  }
0x73: {  	s0 =	simm.s32 @!p4 $0x7;
	s22 =	sadd.s32 $0xFFFFFFE0, s28;
	[sflag:s21] =	ssyncset.done @!p4 $0x0  }
0x74: {  	s23 =	simm.s32 @!p4 $0x300;
	[sflag:s21] =	ssyncadd.s32 @!p4 $0xFFFFC000;
	s21 =	simm.s32 @!p4 $0x80  }
0x75: {  	[spmem:s3] =	stream.indirect.scatter.add.f32 @!p4 [tilespmem:s23], [sflag:$0x7], $0x80, s21, s21, $0xb8;
	[tilespmem:$0x1FB80] =	vst v63  }
0x76: {  	p3 =	sgt.u32 s22, $0x9C3;
	_ =	swait.ge @!p4 [sflag:s0], $0x4000  }
0x77: {  	p1 =	sgt.u32 @!p3 s22, $0x9A3;
	p6 =	sgt.u32 @!p3 s22, $0x963;
	[sflag:s0] =	ssyncset.done @!p4 $0x0  }
0x78: {  	p1 =	por p1, p3;
	[sflag:s0] =	ssyncadd.s32 @!p4 $0xFFFFC000;
	s0 =	simm.s32 @!p5 $0x0  }
0x79: {  	[tilespmem:s0], [sflag:$0x4] =	stream.linear.gather @!p5 [hbm4b:s2+s0], $0x100, $0x38;
	[tilespmem:$0x1FB80] =	vst v63  }
0x7a: {  	p4 =	por p6, p3;
	s0 =	simm.s32 @!p1 $0x6  }
0x7b: {  	s2 =	sadd.s32 @!p4 s30, s16;
	_ =	swait.ge @!p1 [sflag:s0], $0x100  }
0x7c: {  	s22 =	simm.s32 @!p3 $0x2;
	s21 =	simm.s32 @!p1 $0x8300;
	[sflag:s0] =	ssyncset.done @!p1 $0x0  }
0x7d: {  	s23 =	simm.s32 @!p1 $0x200;
	[sflag:s0] =	ssyncadd.s32 @!p1 $0xFFFFFF00;
	s0 =	simm.s32 @!p1 $0x80  }
0x7e: {  	[tilespmem:s21], [sflag:$0x3] =	stream.indirect.gather @!p1 [hbm4b:s1+s0], $0x80, s23, s0, $0xb8;
	[tilespmem:$0x1FB80] =	vst v63  }
0x7f: {  	s0 =	sadd.s32 @!p4 $0x1000, s2;
	_ =	swait.ge @!p3 [sflag:s22], $0x4000  }
0x80: {  	s2 =	simm.s32 @!p3 $0x4300;
	s21 =	simm.s32 @!p3 $0x7;
	[sflag:s22] =	ssyncset.done @!p3 $0x0  }
0x81: {  	s23 =	simm.s32 @!p3 $0x180;
	[sflag:s22] =	ssyncadd.s32 @!p3 $0xFFFFC000;
	s22 =	simm.s32 @!p3 $0x80  }
0x82: {  	[spmem:s3] =	stream.indirect.scatter.add.f32 @!p3 [tilespmem:s2], [sflag:$0x7], $0x80, s23, s22, $0xb8;
	[tilespmem:$0x1FB80] =	vst v63  }
0x83: {  	p1 =	sgt.u32 s28, $0x9C3;
	_ =	swait.ge @!p3 [sflag:s21], $0x4000  }
0x84: {  	p5 =	sgt.u32 @!p1 s28, $0x9A3;
	s2 =	simm.s32 @!p4 $0x100;
	[sflag:s21] =	ssyncset.done @!p3 $0x0  }
0x85: {  	p5 =	por p5, p1;
	[sflag:s21] =	ssyncadd.s32 @!p3 $0xFFFFC000;
	s21 =	simm.s32 @!p4 $0x0  }
0x86: {  	[tilespmem:s2], [sflag:$0x5] =	stream.linear.gather @!p4 [hbm4b:s0+s21], $0x100, $0x38;
	[tilespmem:$0x1FB80] =	vst v63  }
0x87: {  	s31 =	simm.s32 @!p1 $0x7;
	p3 =	sgt.u32 @!p1 s28, $0x963;
	s0 =	simm.s32 @!p5 $0x4  }
0x88: {  	s28 =	sadd.s32 $0x60, s28;
	p3 =	por p3, p1;
	_ =	swait.ge @!p5 [sflag:s0], $0x100  }
0x89: {  	s22 =	simm.s32 @!p1 $0x3;
	s2 =	simm.s32 @!p5 $0x300;
	[sflag:s0] =	ssyncset.done @!p5 $0x0  }
0x8a: {  	s21 =	simm.s32 @!p5 $0x0;
	[sflag:s0] =	ssyncadd.s32 @!p5 $0xFFFFFF00;
	s0 =	simm.s32 @!p5 $0x80  }
0x8b: {  	[tilespmem:s2], [sflag:$0x1] =	stream.indirect.gather @!p5 [hbm4b:s1+s0], $0x80, s21, s0, $0xb8;
	[tilespmem:$0x1FB80] =	vst v63  }
.Ltmp1:
0x8c: {  	_ = 	snop;
	(pc) =	sbr.rel @p2 .LBB2_4-.Ltmp1, $4  }
0x8d: {  	s21 =	sadd.s32 $0xFFFFFFC0, s28;
	s0 =	sadd.s32 @!p3 s30, s16;
	_ =	swait.ge @!p1 [sflag:s22], $0x4000  }
0x8e: {  	s2 =	simm.s32 @!p1 $0x8300;
	s0 =	sadd.s32 @!p3 $0x1400, s0;
	[sflag:s22] =	ssyncset.done @!p1 $0x0  }
0x8f: {  	s23 =	simm.s32 @!p1 $0x280;
	[sflag:s22] =	ssyncadd.s32 @!p1 $0xFFFFC000;
	s22 =	simm.s32 @!p1 $0x80  }
0x90: {  	[spmem:s3] =	stream.indirect.scatter.add.f32 @!p1 [tilespmem:s2], [sflag:$0x7], $0x80, s23, s22, $0xb8;
	[tilespmem:$0x1FB80] =	vst v63  }
0x91: {  	p2 =	sgt.u32 s21, $0x9C3  }
0x92: {  	_ =	swait.ge @!p1 [sflag:s31], $0x4000;
	p4 =	sgt.u32 @!p2 s21, $0x9A3  }
0x93: {  	s2 =	simm.s32 @!p3 $0x0;
	[sflag:s31] =	ssyncset.done @!p1 $0x0;
	p4 =	por p4, p2  }
0x94: {  	s22 =	simm.s32 @!p3 $0x200;
	[sflag:s31] =	ssyncadd.s32 @!p1 $0xFFFFC000;
	s23 =	simm.s32 @!p4 $0x5  }
0x95: {  	[tilespmem:s22], [sflag:$0x6] =	stream.linear.gather @!p3 [hbm4b:s0+s2], $0x100, $0x38;
	[tilespmem:$0x1FB80] =	vst v63  }
0x96: {  	p1 =	sgt.u32 @!p2 s21, $0x963;
	_ =	swait.ge @!p4 [sflag:s23], $0x100  }
0x97: {  	s0 =	simm.s32 @!p4 $0x4300;
	s2 =	simm.s32 @!p4 $0x80;
	[sflag:s23] =	ssyncset.done @!p4 $0x0  }
0x98: {  	s21 =	simm.s32 @!p4 $0x100;
	s22 =	simm.s32 @!p2 $0x1;
	[sflag:s23] =	ssyncadd.s32 @!p4 $0xFFFFFF00  }
0x99: {  	[tilespmem:s0], [sflag:$0x2] =	stream.indirect.gather @!p4 [hbm4b:s1+s2], $0x80, s21, s2, $0xb8;
	[tilespmem:$0x1FB80] =	vst v63  }
0x9a: {  	p3 =	por p1, p2;
	_ =	swait.ge @!p2 [sflag:s22], $0x4000  }
0x9b: {  	s0 =	simm.s32 @!p2 $0x7;
	s2 =	sadd.s32 $0xFFFFFFE0, s28;
	[sflag:s22] =	ssyncset.done @!p2 $0x0  }
0x9c: {  	s21 =	simm.s32 @!p2 $0x80;
	[sflag:s22] =	ssyncadd.s32 @!p2 $0xFFFFC000;
	s22 =	simm.s32 @!p2 $0x300  }
0x9d: {  	[spmem:s3] =	stream.indirect.scatter.add.f32 @!p2 [tilespmem:s22], [sflag:$0x7], $0x80, s21, s21, $0xb8;
	[tilespmem:$0x1FB80] =	vst v63  }
0x9e: {  	p1 =	sgt.u32 s2, $0x9C3;
	s21 =	sadd.s32 @!p3 s26, s16;
	_ =	swait.ge @!p2 [sflag:s0], $0x4000  }
0x9f: {  	p4 =	sgt.u32 @!p1 s2, $0x9A3;
	s21 =	sadd.s32 @!p3 $0xC00, s21;
	[sflag:s0] =	ssyncset.done @!p2 $0x0  }
0xa0: {  	[sflag:s0] =	ssyncadd.s32 @!p2 $0xFFFFC000;
	s0 =	simm.s32 @!p3 $0x0;
	p2 =	por p4, p1  }
0xa1: {  	[tilespmem:s0], [sflag:$0x4] =	stream.linear.gather @!p3 [hbm4b:s21+s0], $0x100, $0x38;
	[tilespmem:$0x1FB80] =	vst v63  }
0xa2: {  	s0 =	simm.s32 @!p2 $0x6  }
0xa3: {  	p3 =	sgt.u32 @!p1 s2, $0x963;
	_ =	swait.ge @!p2 [sflag:s0], $0x100  }
0xa4: {  	s2 =	simm.s32 @!p2 $0x8300;
	s21 =	simm.s32 @!p1 $0x2;
	[sflag:s0] =	ssyncset.done @!p2 $0x0  }
0xa5: {  	s22 =	simm.s32 @!p2 $0x200;
	[sflag:s0] =	ssyncadd.s32 @!p2 $0xFFFFFF00;
	s0 =	simm.s32 @!p2 $0x80  }
0xa6: {  	[tilespmem:s2], [sflag:$0x3] =	stream.indirect.gather @!p2 [hbm4b:s1+s0], $0x80, s22, s0, $0xb8;
	[tilespmem:$0x1FB80] =	vst v63  }
0xa7: {  	s23 =	simm.s32 @!p1 $0x180;
	p3 =	por p3, p1;
	_ =	swait.ge @!p1 [sflag:s21], $0x4000  }
0xa8: {  	s0 =	sadd.s32 @!p3 s26, s16;
	s2 =	simm.s32 @!p1 $0x4300;
	[sflag:s21] =	ssyncset.done @!p1 $0x0  }
0xa9: {  	s22 =	simm.s32 @!p1 $0x7;
	[sflag:s21] =	ssyncadd.s32 @!p1 $0xFFFFC000;
	s21 =	simm.s32 @!p1 $0x80  }
0xaa: {  	[spmem:s3] =	stream.indirect.scatter.add.f32 @!p1 [tilespmem:s2], [sflag:$0x7], $0x80, s23, s21, $0xb8;
	[tilespmem:$0x1FB80] =	vst v63  }
0xab: {  	p2 =	sgt.u32 s28, $0x9C3;
	s0 =	sadd.s32 @!p3 $0x1000, s0;
	_ =	swait.ge @!p1 [sflag:s22], $0x4000  }
0xac: {  	p4 =	sgt.u32 @!p2 s28, $0x9A3;
	s2 =	simm.s32 @!p3 $0x100;
	[sflag:s22] =	ssyncset.done @!p1 $0x0  }
0xad: {  	s21 =	simm.s32 @!p3 $0x0;
	[sflag:s22] =	ssyncadd.s32 @!p1 $0xFFFFC000;
	p1 =	por p4, p2  }
0xae: {  	[tilespmem:s2], [sflag:$0x5] =	stream.linear.gather @!p3 [hbm4b:s0+s21], $0x100, $0x38;
	[tilespmem:$0x1FB80] =	vst v63  }
0xaf: {  	s0 =	simm.s32 @!p1 $0x4  }
0xb0: {  	_ =	swait.ge @!p1 [sflag:s0], $0x100  }
0xb1: {  	s2 =	simm.s32 @!p1 $0x300;
	s21 =	simm.s32 @!p2 $0x3;
	[sflag:s0] =	ssyncset.done @!p1 $0x0  }
0xb2: {  	s22 =	simm.s32 @!p1 $0x0;
	[sflag:s0] =	ssyncadd.s32 @!p1 $0xFFFFFF00;
	s0 =	simm.s32 @!p1 $0x80  }
0xb3: {  	[tilespmem:s2], [sflag:$0x1] =	stream.indirect.gather @!p1 [hbm4b:s1+s0], $0x80, s22, s0, $0xb8;
	[tilespmem:$0x1FB80] =	vst v63  }
0xb4: {  	s0 =	simm.s32 @!p2 $0x7;
	_ =	swait.ge @!p2 [sflag:s21], $0x4000  }
0xb5: {  	p1 =	sgt.u32 @!p2 s28, $0x963;
	s2 =	simm.s32 @!p2 $0x8300;
	[sflag:s21] =	ssyncset.done @!p2 $0x0  }
0xb6: {  	s22 =	simm.s32 @!p2 $0x280;
	[sflag:s21] =	ssyncadd.s32 @!p2 $0xFFFFC000;
	s21 =	simm.s32 @!p2 $0x80  }
0xb7: {  	[spmem:s3] =	stream.indirect.scatter.add.f32 @!p2 [tilespmem:s2], [sflag:$0x7], $0x80, s22, s21, $0xb8;
	[tilespmem:$0x1FB80] =	vst v63  }
0xb8: {  	p1 =	por p1, p2;
	_ =	swait.ge @!p2 [sflag:s0], $0x4000  }
0xb9: {  	s2 =	sadd.s32 @!p1 s26, s16;
	s21 =	simm.s32 @!p1 $0x0;
	[sflag:s0] =	ssyncset.done @!p2 $0x0  }
0xba: {  	s22 =	simm.s32 @!p1 $0x200;
	s2 =	sadd.s32 @!p1 $0x1400, s2;
	[sflag:s0] =	ssyncadd.s32 @!p2 $0xFFFFC000  }
0xbb: {  	[tilespmem:s22], [sflag:$0x6] =	stream.linear.gather @!p1 [hbm4b:s2+s21], $0x100, $0x38;
	[tilespmem:$0x1FB80] =	vst v63  }
0xbc: {  	s0 =	simm.s32 @p0 $0x1FC7;
	[bflag:$0x0] =	sbarrier.arrive $0xFFFF  }
0xbd: {  	[hbm:s14], [sflag:s0] =	dma.local @p0 [spmem:s24], $0x2800  }
0xbe: {  	s0 =	simm.s32 @p0 $0x7  }
0xbf: {  	s2 =	stileid.u32;
	_ =	swait.ge @p0 [sflag:s0], $0x2800  }
0xc0: {  	s4 =	sadd.s32 $0x1, s4;
	s2 =	sshll.u32 @!p0 s2, $0x6;
	[sflag:s0] =	ssyncset.done @p0 $0x0  }
0xc1: {  	p1 =	sne.s32 s4, s15;
	[sflag:s0] =	ssyncadd.s32 @p0 $0xFFFFD800;
	s0 =	sor.u32 @!p0 $0x1C07, s2  }
0xc2: {  	[hbm:s13], [sflag:s0] =	dma.local @!p0 [spmem:s25], $0x2700  }
.Ltmp2:
0xc3: {  	_ = 	snop;
	(pc) =	sbr.rel @p1 .LBB2_1-.Ltmp2, $4  }
0xc4: {  	s0 =	simm.s32 @!p0 $0x7  }
0xc5: {  	_ =	swait.ge @!p0 [sflag:s0], $0x2700  }
0xc6: {  	[sflag:s0] =	ssyncset.done @!p0 $0x0  }
0xc7: {  	[sflag:s0] =	ssyncadd.s32 @!p0 $0xFFFFD900  }
0xc8: {  	_ =	sfence.sel $0x180000  }
0xc9: {  	[bflag:$0x0] =	sbarrier.arrive $0xFFFF  }
0xca: {  	_ =	strace $0x90000047  }
0xcb: {  	s0 =	stileid.u32;
	[bflag:$0x2] =	sbarrier.arrive $0xFFFF  }
0xcc: {  	p0 =	sne.s32 s0, $0x0;
	s0 =	rddreg [dreg:$0x4]  }
0xcd: {  	s0 =	sadd.s32 @!p0 $0x100000, s0  }
0xce: {  	[sflag:s0] =	ssyncadd.tile.s32 @!p0 $0x1;
	_ =	shalt  }
.Lfunc_end2:
_tile_overlayer_lowered:
.L_overlay_start_2:
0xcf: {  	(tag) =	ssettag $0x2  }
0xd0: {  	s0 =	rddreg [dreg:$0x0];
	s2 =	stileid.u32  }
0xd1: {  	s1 =	rddreg [dreg:$0x1];
	p0 =	sne.s32 s2, $0x0  }
0xd2: {  	s3 =	rddreg [dreg:$0x2];
	[bflag:$0x3] =	sbarrier.arrive $0xFFFF;
	s2 =	simm.s32 @!p0 $0x1C07  }
0xd3: {  	[timem:s3], [sflag:s2] =	dma.local @!p0 [hbm:s0], s1  }
0xd4: {  	s0 =	simm.s32 @!p0 $0x7  }
0xd5: {  	_ =	swait.ge @!p0 [sflag:s0], s1  }
0xd6: {  	s1 =	ssub.s32 @!p0 $0x0, s1;
	[sflag:s0] =	ssyncset.done @!p0 $0x0  }
0xd7: {  	[sflag:s0] =	ssyncadd.s32 @!p0 s1  }
0xd8: {  	[bflag:$0x3] =	sbarrier.arrive $0xFFFF  }
0xd9: {  	_ =	shalt  }

</sc_bundles>
